<compile_context>
chip_gen: v7x
topology: tpu7x:2x2x1
jax: 0.10.2.dev20260603
libtpu: 0.0.44.dev20260713+nightly
codegen_flags: <defaults>
</compile_context>

<pallas_src>
import functools

import jax
import jax.numpy as jnp
from jax import lax
from jax.experimental import pallas as pl
from jax.experimental.pallas import tpu as pltpu
from jax.experimental.pallas import tpu_sc as plsc

CH = 128


def _sc_mesh():
    return plsc.VectorSubcoreMesh(core_axis_name="c", subcore_axis_name="s")


def _make_deg_kernel(NP, EP):
    n_per_tile = EP // 32
    nch = n_per_tile // CH
    slc = NP // 16

    @functools.partial(
        pl.kernel,
        mesh=_sc_mesh(),
        out_type=jax.ShapeDtypeStruct((2 * NP,), jnp.float32),
        scratch_types=[
            pltpu.VMEM_SHARED((NP,), jnp.float32),
            pltpu.VMEM((CH,), jnp.float32),
            pltpu.VMEM((nch, CH), jnp.int32),
            pltpu.VMEM((slc,), jnp.float32),
            pltpu.SemaphoreType.DMA,
        ],
    )
    def deg_k(col2d_hbm, deg_out, deg_sh, ones_v, cidx_all, zb_v, sem):
        c = lax.axis_index("c")
        s = lax.axis_index("s")
        tch = c * (EP // 2 // CH) + s * nch

        def fill_ones(i, _):
            ones_v[pl.ds(i * 16, 16)] = jnp.full((16,), 1.0, jnp.float32)
            return 0

        lax.fori_loop(0, CH // 16, fill_ones, 0)

        def fill_z(i, _):
            zb_v[pl.ds(i * 16, 16)] = jnp.zeros((16,), jnp.float32)
            return 0

        lax.fori_loop(0, slc // 16, fill_z, 0)
        pltpu.sync_copy(col2d_hbm.at[pl.ds(tch, nch)], cidx_all)
        pltpu.sync_copy(zb_v, deg_sh.at[pl.ds(s * slc, slc)])
        plsc.subcore_barrier()

        def fire(j, _):
            pltpu.async_copy(ones_v, deg_sh.at[cidx_all.at[j]], sem, add=True)
            return 0

        lax.fori_loop(0, nch, fire, 0)

        def drain(j, _):
            pltpu.make_async_copy(ones_v, deg_sh.at[cidx_all.at[j]], sem).wait()
            return 0

        lax.fori_loop(0, nch, drain, 0)
        plsc.subcore_barrier()
        pltpu.sync_copy(
            deg_sh.at[pl.ds(s * slc, slc)],
            deg_out.at[pl.ds(c * NP + s * slc, slc)],
        )

    return deg_k


def _make_agg_kernel(NP, EP, H):
    n_per_tile = EP // 16
    nch = n_per_tile // CH
    slc = NP // 16

    assert nch % 4 == 0

    @functools.partial(
        pl.kernel,
        mesh=_sc_mesh(),
        out_type=jax.ShapeDtypeStruct((2 * NP, H), jnp.float32),
        scratch_types=[
            pltpu.VMEM_SHARED((NP, H), jnp.float32),
            pltpu.VMEM((CH, H), jnp.float32),
            pltpu.VMEM((CH, H), jnp.float32),
            pltpu.VMEM((2, CH), jnp.int32),
            pltpu.VMEM((2, CH), jnp.int32),
            pltpu.VMEM((2, CH), jnp.int32),
            pltpu.VMEM((2, CH), jnp.int32),
            pltpu.SemaphoreType.DMA,
            pltpu.SemaphoreType.DMA,
            pltpu.SemaphoreType.DMA,
            pltpu.SemaphoreType.DMA,
            pltpu.SemaphoreType.DMA,
            pltpu.SemaphoreType.DMA,
            pltpu.SemaphoreType.DMA,
            pltpu.SemaphoreType.DMA,
        ],
    )
    def agg_k(y_hbm, rc_hbm, out_hbm, agg_sh, bufa, bufb, r0, r1, r2, r3,
              semga, semgb, semsa, semsb, semr0, semr1, semr2, semr3):
        c = lax.axis_index("c")
        s = lax.axis_index("s")
        tbase = 2 * s * nch
        roff = c * NP

        def rstart(j, rc, semr):
            pltpu.async_copy(rc_hbm.at[pl.ds(tbase + 2 * j, 2)], rc, semr)

        def rwait(j, rc, semr):
            pltpu.make_async_copy(
                rc_hbm.at[pl.ds(tbase + 2 * j, 2)], rc, semr
            ).wait()

            def adj(k, _):
                rc[0, pl.ds(k * 16, 16)] = rc[0, pl.ds(k * 16, 16)] + roff
                return 0

            lax.fori_loop(0, CH // 16, adj, 0)

        def gstart(rc, buf, sem):
            pltpu.async_copy(y_hbm.at[rc.at[0]], buf, sem)

        def gwait(rc, buf, sem):
            pltpu.make_async_copy(y_hbm.at[rc.at[0]], buf, sem).wait()

        def sstart(buf, rc, sem):
            pltpu.async_copy(buf, agg_sh.at[rc.at[1]], sem, add=True)

        def swait(buf, rc, sem):
            pltpu.make_async_copy(buf, agg_sh.at[rc.at[1]], sem).wait()

        rstart(0, r0, semr0)
        rstart(1, r1, semr1)
        rstart(2, r2, semr2)

        pltpu.sync_copy(
            y_hbm.at[pl.ds(c * NP + s * slc, slc)],
            agg_sh.at[pl.ds(s * slc, slc)],
        )
        rwait(0, r0, semr0)
        gstart(r0, bufa, semga)
        plsc.subcore_barrier()

        def sub(j, bj, sgj, ssj, bp, ssp, sgp, rcj, rcn, rcp, semrn, semrp,
                first, guard_pref, guard_g):
            gwait(rcj, bj, sgj)
            sstart(bj, rcj, ssj)

            def after_prev():
                swait(bp, rcp, ssp)

            if first:
                @pl.when(j > 0)
                def _():
                    after_prev()
            else:
                after_prev()

            if guard_pref:
                @pl.when(j + 3 < nch)
                def _():
                    rstart(j + 3, rcp, semrp)
            else:
                rstart(j + 3, rcp, semrp)

            def next_gather():
                rwait(j + 1, rcn, semrn)
                gstart(rcn, bp, sgp)

            if guard_g:
                @pl.when(j + 1 < nch)
                def _():
                    next_gather()
            else:
                next_gather()

        def step(i, _):
            j0 = 4 * i
            sub(j0, bufa, semga, semsa, bufb, semsb, semgb,
                r0, r1, r3, semr1, semr3, True, False, False)
            sub(j0 + 1, bufb, semgb, semsb, bufa, semsa, semga,
                r1, r2, r0, semr2, semr0, False, True, False)
            sub(j0 + 2, bufa, semga, semsa, bufb, semsb, semgb,
                r2, r3, r1, semr3, semr1, False, True, False)
            sub(j0 + 3, bufb, semgb, semsb, bufa, semsa, semga,
                r3, r0, r2, semr0, semr2, False, True, True)
            return 0

        lax.fori_loop(0, nch // 4, step, 0)
        swait(bufb, r3, semsb)
        plsc.subcore_barrier()
        pltpu.sync_copy(
            agg_sh.at[pl.ds(s * slc, slc)],
            out_hbm.at[pl.ds(c * NP + s * slc, slc)],
        )

    return agg_k


def _make_pre_kernel(N, NP, D, BN):
    H = D // 2

    def body(x_ref, w_ref, degs_ref, y2_ref, dis_ref):
        deg = degs_ref[0] + degs_ref[1] + 1.0
        dis = lax.rsqrt(deg)
        xw = jnp.dot(x_ref[...], w_ref[...], preferred_element_type=jnp.float32)
        y = xw * dis[:, None]
        y2_ref[0] = y[:, :H]
        y2_ref[1] = y[:, H:]
        dis_ref[...] = dis

    return pl.pallas_call(
        body,
        grid=(NP // BN,),
        in_specs=[
            pl.BlockSpec((BN, D), lambda i: (i, 0)),
            pl.BlockSpec((D, D), lambda i: (0, 0)),
            pl.BlockSpec((2, BN), lambda i: (0, i)),
        ],
        out_specs=[
            pl.BlockSpec((2, BN, H), lambda i: (0, i, 0)),
            pl.BlockSpec((BN,), lambda i: (i,)),
        ],
        out_shape=[
            jax.ShapeDtypeStruct((2, NP, H), jnp.float32),
            jax.ShapeDtypeStruct((NP,), jnp.float32),
        ],
    )


def _make_post_kernel(N, NP, D, BN):
    H = D // 2

    def body(agg_ref, dis_ref, x_ref, b_ref, lw_ref, lb_ref, o_ref):
        agg = jnp.concatenate([agg_ref[0], agg_ref[1]], axis=1)
        dis = dis_ref[...]
        h = agg * dis[:, None] + b_ref[...][None, :]
        mu = jnp.mean(h, axis=1, keepdims=True)
        d = h - mu
        var = jnp.mean(d * d, axis=1, keepdims=True)
        h = d * lax.rsqrt(var + 1e-5) * lw_ref[...][None, :] + lb_ref[...][None, :]
        h = jnp.maximum(h, 0.0)
        o_ref[...] = h + x_ref[...]

    return pl.pallas_call(
        body,
        grid=(NP // BN,),
        in_specs=[
            pl.BlockSpec((2, BN, H), lambda i: (0, i, 0)),
            pl.BlockSpec((BN,), lambda i: (i,)),
            pl.BlockSpec((BN, D), lambda i: (i, 0)),
            pl.BlockSpec((D,), lambda i: (0,)),
            pl.BlockSpec((D,), lambda i: (0,)),
            pl.BlockSpec((D,), lambda i: (0,)),
        ],
        out_specs=pl.BlockSpec((BN, D), lambda i: (i, 0)),
        out_shape=jax.ShapeDtypeStruct((N, D), jnp.float32),
    )


def kernel(x, edge_index, W, b, ln_w, ln_b):
    N, D = x.shape
    E = edge_index.shape[1]
    H = D // 2
    NP = ((N + 2048) // 2048) * 2048
    EP = ((E + 4095) // 4096) * 4096
    BN = 1024

    row = edge_index[0]
    col = edge_index[1]
    pad = EP - E
    if pad:
        fill = (N + (jnp.arange(pad, dtype=jnp.int32) % (NP - N))).astype(jnp.int32)
        row = jnp.concatenate([row, fill])
        col = jnp.concatenate([col, fill])
    col2d = col.reshape(EP // CH, CH)
    rc = jnp.stack(
        [row.reshape(EP // CH, CH), col2d], axis=1
    ).reshape(2 * (EP // CH), CH)
    degs = _make_deg_kernel(NP, EP)(col2d)
    y2, dis = _make_pre_kernel(N, NP, D, BN)(x, W, degs.reshape(2, NP))
    agg = _make_agg_kernel(NP, EP, H)(y2.reshape(2 * NP, H), rc)
    return _make_post_kernel(N, NP, D, BN)(
        agg.reshape(2, NP, H), dis, x, b, ln_w, ln_b
    )

# --- scband reference (transcript-rebuilt; emitter-appended) ---
"""Pipeline reference for scband-residual-gcnlayer-36034775613467 (READ-ONLY COPY).

The authoritative reference and input builder live on the scoring server;
editing this copy changes nothing except your own understanding.
"""

import jax, jax.numpy as jnp
import numpy as np

N = 10000
E = 160000
D = 256


def setup_inputs(seed: int = 0) -> dict:
    key = jax.random.key(seed)
    k1, k2, k3, k4, k5, k6 = jax.random.split(key, 6)
    x = jax.random.normal(k1, (N, D), dtype=jnp.float32)
    edge_index = jax.random.randint(k2, (2, E), 0, N, dtype=jnp.int32)
    # GCNConv linear weight (Glorot-ish scale) and bias
    W = jax.random.normal(k3, (D, D), dtype=jnp.float32) * (1.0 / np.sqrt(D))
    b = jnp.zeros((D,), dtype=jnp.float32)
    # LayerNorm params
    ln_w = jnp.ones((D,), dtype=jnp.float32)
    ln_b = jnp.zeros((D,), dtype=jnp.float32)
    return {"x": x, "edge_index": edge_index, "W": W, "b": b, "ln_w": ln_w, "ln_b": ln_b}


def reference(x, edge_index, W, b, ln_w, ln_b):
    # --- GCNConv(hidden, hidden): symmetric-normalized aggregation with self-loops ---
    row = edge_index[0]
    col = edge_index[1]
    loop = jnp.arange(N, dtype=row.dtype)
    row = jnp.concatenate([row, loop])
    col = jnp.concatenate([col, loop])

    xw = x @ W  # linear transform

    deg = jnp.zeros((N,), dtype=jnp.float32).at[col].add(1.0)
    deg_inv_sqrt = jnp.where(deg > 0, 1.0 / jnp.sqrt(deg), 0.0)
    norm = deg_inv_sqrt[row] * deg_inv_sqrt[col]  # per-edge normalization

    msgs = jnp.take(xw, row, axis=0) * norm[:, None]  # gather source features
    agg = jax.ops.segment_sum(msgs, col, num_segments=N)  # scatter-add to dst
    h = agg + b

    # --- LayerNorm ---
    mu = jnp.mean(h, axis=-1, keepdims=True)
    var = jnp.var(h, axis=-1, keepdims=True)
    h = (h - mu) / jnp.sqrt(var + 1e-5) * ln_w + ln_b

    # --- ReLU ---
    h = jax.nn.relu(h)

    # --- Dropout(0.1) in eval mode -> identity ---

    # --- residual ---
    return h + x

if __name__ == "__main__":
    import jax
    _d = setup_inputs()
    print(jax.jit(kernel)(*tuple(_d.values())))

</pallas_src>

<mosaic_0001>
#map = affine_map<(d0, d1) -> (0, 0)>
#map1 = affine_map<(d0, d1) -> (0)>
module attributes {stable_mosaic.version = 14 : i64} {
  func.func @deg_k(%arg0: i32, %arg1: i32, %arg2: memref<1280x128xi32, #tpu.memory_space<hbm>>, %arg3: memref<20480xf32, #tpu.memory_space<hbm>>, %arg4: memref<10240xf32, #tpu.memory_space<vmem_shared>>, %arg5: memref<128xf32, #tpu.memory_space<vmem>>, %arg6: memref<40x128xi32, #tpu.memory_space<vmem>>, %arg7: memref<640xf32, #tpu.memory_space<vmem>>, %arg8: memref<!tpu.dma_semaphore, #tpu.memory_space<semaphore_mem>>) attributes {dimension_semantics = [#tpu.dimension_semantics<core_parallel>, #tpu.dimension_semantics<subcore_parallel>], iteration_bounds = array<i64: 2, 16>, scalar_prefetch = 0 : i64, scratch_operands = 5 : i64, tpu.core_type = #tpu.core_type<sc_vector_subcore>, window_params = [{transform_indices = #map}, {transform_indices = #map1}]} {
    %mul3A = arith.constant 640 : i32
    %mul3A_0 = arith.muli %arg0, %mul3A : i32
    %mul3A_1 = arith.constant 40 : i32
    %mul3A_2 = arith.muli %arg1, %mul3A_1 : i32
    %add3A = arith.addi %mul3A_0, %mul3A_2 : i32
    %scan3A = arith.constant 0 : i32
    %scan3A_3 = arith.constant 0 : i32
    %scan3A_4 = arith.constant 8 : i32
    %scan3A_5 = arith.addi %scan3A_3, %scan3A_4 : i32
    %scan3A_6 = arith.constant 1 : i32
    %scan3A_7 = scf.for %scan3A_40 = %scan3A_3 to %scan3A_5 step %scan3A_6 iter_args(%scan3A_41 = %scan3A) -> (i32)  : i32 {
      %broadcast_in_dim3A = arith.constant 1.000000e+00 : f32
      %broadcast_in_dim3A_42 = vector.broadcast %broadcast_in_dim3A : f32 to vector<16xf32>
      %mul3A_43 = arith.constant 16 : i32
      %mul3A_44 = arith.muli %scan3A_40, %mul3A_43 : i32
      %swap3A = arith.index_cast %mul3A_44 : i32 to index
      %swap3A_45 = tpu.vector_load %arg5[%swap3A] {strides = array<i32>} : memref<128xf32, #tpu.memory_space<vmem>>, vector<16xf32>,
      %swap3A_46 = vector.shape_cast %swap3A_45 : vector<16xf32> to vector<16xf32>
      %swap3A_47 = vector.shape_cast %broadcast_in_dim3A_42 : vector<16xf32> to vector<16xf32>
      tpu.vector_store %arg5[%swap3A], %swap3A_47 {strides = array<i32>} : memref<128xf32, #tpu.memory_space<vmem>>, vector<16xf32>,
      %scan3A_48 = arith.constant 0 : i32
      scf.yield %scan3A_48 : i32
    }
    %scan3A_8 = arith.constant 8 : i32
    %scan3A_9 = arith.constant 0 : i32
    %scan3A_10 = arith.constant 0 : i32
    %scan3A_11 = arith.constant 40 : i32
    %scan3A_12 = arith.addi %scan3A_10, %scan3A_11 : i32
    %scan3A_13 = arith.constant 1 : i32
    %scan3A_14 = scf.for %scan3A_40 = %scan3A_10 to %scan3A_12 step %scan3A_13 iter_args(%scan3A_41 = %scan3A_9) -> (i32)  : i32 {
      %broadcast_in_dim3A = arith.constant 0.000000e+00 : f32
      %broadcast_in_dim3A_42 = vector.broadcast %broadcast_in_dim3A : f32 to vector<16xf32>
      %mul3A_43 = arith.constant 16 : i32
      %mul3A_44 = arith.muli %scan3A_40, %mul3A_43 : i32
      %swap3A = arith.index_cast %mul3A_44 : i32 to index
      %swap3A_45 = tpu.vector_load %arg7[%swap3A] {strides = array<i32>} : memref<640xf32, #tpu.memory_space<vmem>>, vector<16xf32>,
      %swap3A_46 = vector.shape_cast %swap3A_45 : vector<16xf32> to vector<16xf32>
      %swap3A_47 = vector.shape_cast %broadcast_in_dim3A_42 : vector<16xf32> to vector<16xf32>
      tpu.vector_store %arg7[%swap3A], %swap3A_47 {strides = array<i32>} : memref<640xf32, #tpu.memory_space<vmem>>, vector<16xf32>,
      %scan3A_48 = arith.constant 0 : i32
      scf.yield %scan3A_48 : i32
    }
    %scan3A_15 = arith.constant 40 : i32
    "tpu.region"() ({
      %run_scoped3A = tpu.sem_alloc : memref<!tpu.dma_semaphore, #tpu.memory_space<semaphore_mem>>
      %dma_start3A = arith.constant 0 : i32
      %dma_start3A_40 = tpu.memref_slice %arg2[%add3A, %dma_start3A] : memref<1280x128xi32, #tpu.memory_space<hbm>> -> memref<40x128xi32, #tpu.memory_space<hbm>>
      %dma_start3A_41 = arith.constant 0 : i32
      %dma_start3A_42 = tpu.memref_slice %arg2[%add3A, %dma_start3A_41] : memref<1280x128xi32, #tpu.memory_space<hbm>> -> memref<40x128xi32, #tpu.memory_space<hbm>>
      tpu.enqueue_dma source(%dma_start3A_42 : memref<40x128xi32, #tpu.memory_space<hbm>>) target(%arg6 : memref<40x128xi32, #tpu.memory_space<vmem>>) target_semaphore(%run_scoped3A : memref<!tpu.dma_semaphore, #tpu.memory_space<semaphore_mem>>)
      %dma_wait3A = arith.constant 0 : i32
      %dma_wait3A_43 = tpu.memref_slice %arg2[%add3A, %dma_wait3A] : memref<1280x128xi32, #tpu.memory_space<hbm>> -> memref<40x128xi32, #tpu.memory_space<hbm>>
      %dma_wait3A_44 = arith.constant 0 : i32
      %dma_wait3A_45 = tpu.memref_slice %arg2[%add3A, %dma_wait3A_44] : memref<1280x128xi32, #tpu.memory_space<hbm>> -> memref<40x128xi32, #tpu.memory_space<hbm>>
      tpu.wait_dma2 semaphore(%run_scoped3A : memref<!tpu.dma_semaphore, #tpu.memory_space<semaphore_mem>>) src(%dma_wait3A_45 : memref<40x128xi32, #tpu.memory_space<hbm>>) dst(%arg6 : memref<40x128xi32, #tpu.memory_space<vmem>>)
      tpu.yield
    }) : () -> ()
    %mul3A_16 = arith.constant 640 : i32
    %mul3A_17 = arith.muli %arg1, %mul3A_16 : i32
    "tpu.region"() ({
      %run_scoped3A = tpu.sem_alloc : memref<!tpu.dma_semaphore, #tpu.memory_space<semaphore_mem>>
      %dma_start3A = tpu.memref_slice %arg4[%mul3A_17] : memref<10240xf32, #tpu.memory_space<vmem_shared>> -> memref<640xf32, #tpu.memory_space<vmem_shared>>
      %dma_start3A_40 = tpu.memref_slice %arg4[%mul3A_17] : memref<10240xf32, #tpu.memory_space<vmem_shared>> -> memref<640xf32, #tpu.memory_space<vmem_shared>>
      tpu.enqueue_dma source(%arg7 : memref<640xf32, #tpu.memory_space<vmem>>) target(%dma_start3A_40 : memref<640xf32, #tpu.memory_space<vmem_shared>>) target_semaphore(%run_scoped3A : memref<!tpu.dma_semaphore, #tpu.memory_space<semaphore_mem>>)
      %dma_wait3A = tpu.memref_slice %arg4[%mul3A_17] : memref<10240xf32, #tpu.memory_space<vmem_shared>> -> memref<640xf32, #tpu.memory_space<vmem_shared>>
      %dma_wait3A_41 = tpu.memref_slice %arg4[%mul3A_17] : memref<10240xf32, #tpu.memory_space<vmem_shared>> -> memref<640xf32, #tpu.memory_space<vmem_shared>>
      tpu.wait_dma2 semaphore(%run_scoped3A : memref<!tpu.dma_semaphore, #tpu.memory_space<semaphore_mem>>) src(%arg7 : memref<640xf32, #tpu.memory_space<vmem>>) dst(%dma_wait3A_41 : memref<640xf32, #tpu.memory_space<vmem_shared>>)
      tpu.yield
    }) : () -> ()
    %barrier3A = arith.constant 0 : index
    tpu.barrier barrier_id(%barrier3A)
    %scan3A_18 = arith.constant 0 : i32
    %scan3A_19 = arith.constant 0 : i32
    %scan3A_20 = arith.constant 40 : i32
    %scan3A_21 = arith.addi %scan3A_19, %scan3A_20 : i32
    %scan3A_22 = arith.constant 1 : i32
    %scan3A_23 = scf.for %scan3A_40 = %scan3A_19 to %scan3A_21 step %scan3A_22 iter_args(%scan3A_41 = %scan3A_18) -> (i32)  : i32 {
      %dma_start3A = arith.constant 0 : i32
      %dma_start3A_42 = tpu.memref_slice %arg6[%scan3A_40, %dma_start3A] : memref<40x128xi32, #tpu.memory_space<vmem>> -> memref<1x128xi32, #tpu.memory_space<vmem>>
      %dma_start3A_43 = tpu.memref_squeeze %dma_start3A_42 : memref<1x128xi32, #tpu.memory_space<vmem>> -> memref<128xi32, #tpu.memory_space<vmem>>
      %dma_start3A_44 = arith.constant 0 : i32
      %dma_start3A_45 = tpu.memref_slice %arg4[%dma_start3A_44] : memref<10240xf32, #tpu.memory_space<vmem_shared>> -> memref<10240xf32, #tpu.memory_space<vmem_shared>>
      tpu.enqueue_indirect_dma source(%arg5 : memref<128xf32, #tpu.memory_space<vmem>>) target(%dma_start3A_45 : memref<10240xf32, #tpu.memory_space<vmem_shared>>) offsets(%dma_start3A_43 : memref<128xi32, #tpu.memory_space<vmem>>) semaphore(%arg8 : memref<!tpu.dma_semaphore, #tpu.memory_space<semaphore_mem>>) {add = true}
      %scan3A_46 = arith.constant 0 : i32
      scf.yield %scan3A_46 : i32
    }
    %scan3A_24 = arith.constant 40 : i32
    %scan3A_25 = arith.constant 0 : i32
    %scan3A_26 = arith.constant 0 : i32
    %scan3A_27 = arith.constant 40 : i32
    %scan3A_28 = arith.addi %scan3A_26, %scan3A_27 : i32
    %scan3A_29 = arith.constant 1 : i32
    %scan3A_30 = scf.for %scan3A_40 = %scan3A_26 to %scan3A_28 step %scan3A_29 iter_args(%scan3A_41 = %scan3A_25) -> (i32)  : i32 {
      %dma_wait3A = arith.constant 0 : i32
      %dma_wait3A_42 = tpu.memref_slice %arg6[%scan3A_40, %dma_wait3A] : memref<40x128xi32, #tpu.memory_space<vmem>> -> memref<1x128xi32, #tpu.memory_space<vmem>>
      %dma_wait3A_43 = tpu.memref_squeeze %dma_wait3A_42 : memref<1x128xi32, #tpu.memory_space<vmem>> -> memref<128xi32, #tpu.memory_space<vmem>>
      %dma_wait3A_44 = arith.constant 0 : i32
      %dma_wait3A_45 = tpu.memref_slice %arg4[%dma_wait3A_44] : memref<10240xf32, #tpu.memory_space<vmem_shared>> -> memref<10240xf32, #tpu.memory_space<vmem_shared>>
      tpu.wait_indirect_dma semaphore(%arg8 : memref<!tpu.dma_semaphore, #tpu.memory_space<semaphore_mem>>) src(%arg5 : memref<128xf32, #tpu.memory_space<vmem>>) dst(%dma_wait3A_45 : memref<10240xf32, #tpu.memory_space<vmem_shared>>)
      %scan3A_46 = arith.constant 0 : i32
      scf.yield %scan3A_46 : i32
    }
    %scan3A_31 = arith.constant 40 : i32
    %barrier3A_32 = arith.constant 0 : index
    tpu.barrier barrier_id(%barrier3A_32)
    %mul3A_33 = arith.constant 640 : i32
    %mul3A_34 = arith.muli %arg1, %mul3A_33 : i32
    %mul3A_35 = arith.constant 10240 : i32
    %mul3A_36 = arith.muli %arg0, %mul3A_35 : i32
    %mul3A_37 = arith.constant 640 : i32
    %mul3A_38 = arith.muli %arg1, %mul3A_37 : i32
    %add3A_39 = arith.addi %mul3A_36, %mul3A_38 : i32
    "tpu.region"() ({
      %run_scoped3A = tpu.sem_alloc : memref<!tpu.dma_semaphore, #tpu.memory_space<semaphore_mem>>
      %dma_start3A = tpu.memref_slice %arg3[%add3A_39] : memref<20480xf32, #tpu.memory_space<hbm>> -> memref<640xf32, #tpu.memory_space<hbm>>
      %dma_start3A_40 = tpu.memref_slice %arg4[%mul3A_34] : memref<10240xf32, #tpu.memory_space<vmem_shared>> -> memref<640xf32, #tpu.memory_space<vmem_shared>>
      tpu.enqueue_dma source(%dma_start3A_40 : memref<640xf32, #tpu.memory_space<vmem_shared>>) target(%dma_start3A : memref<640xf32, #tpu.memory_space<hbm>>) target_semaphore(%run_scoped3A : memref<!tpu.dma_semaphore, #tpu.memory_space<semaphore_mem>>)
      %dma_wait3A = tpu.memref_slice %arg3[%add3A_39] : memref<20480xf32, #tpu.memory_space<hbm>> -> memref<640xf32, #tpu.memory_space<hbm>>
      %dma_wait3A_41 = tpu.memref_slice %arg4[%mul3A_34] : memref<10240xf32, #tpu.memory_space<vmem_shared>> -> memref<640xf32, #tpu.memory_space<vmem_shared>>
      tpu.wait_dma2 semaphore(%run_scoped3A : memref<!tpu.dma_semaphore, #tpu.memory_space<semaphore_mem>>) src(%dma_wait3A_41 : memref<640xf32, #tpu.memory_space<vmem_shared>>) dst(%dma_wait3A : memref<640xf32, #tpu.memory_space<hbm>>)
      tpu.yield
    }) : () -> ()
    return
  }
}

#map = affine_map<(d0, d1) -> (0, 0)>
module attributes {stable_mosaic.version = 14 : i64} {
  func.func @agg_k(%arg0: i32, %arg1: i32, %arg2: memref<20480x128xf32, #tpu.memory_space<hbm>>, %arg3: memref<2560x128xi32, #tpu.memory_space<hbm>>, %arg4: memref<20480x128xf32, #tpu.memory_space<hbm>>, %arg5: memref<10240x128xf32, #tpu.memory_space<vmem_shared>>, %arg6: memref<128x128xf32, #tpu.memory_space<vmem>>, %arg7: memref<128x128xf32, #tpu.memory_space<vmem>>, %arg8: memref<2x128xi32, #tpu.memory_space<vmem>>, %arg9: memref<2x128xi32, #tpu.memory_space<vmem>>, %arg10: memref<2x128xi32, #tpu.memory_space<vmem>>, %arg11: memref<2x128xi32, #tpu.memory_space<vmem>>, %arg12: memref<!tpu.dma_semaphore, #tpu.memory_space<semaphore_mem>>, %arg13: memref<!tpu.dma_semaphore, #tpu.memory_space<semaphore_mem>>, %arg14: memref<!tpu.dma_semaphore, #tpu.memory_space<semaphore_mem>>, %arg15: memref<!tpu.dma_semaphore, #tpu.memory_space<semaphore_mem>>, %arg16: memref<!tpu.dma_semaphore, #tpu.memory_space<semaphore_mem>>, %arg17: memref<!tpu.dma_semaphore, #tpu.memory_space<semaphore_mem>>, %arg18: memref<!tpu.dma_semaphore, #tpu.memory_space<semaphore_mem>>, %arg19: memref<!tpu.dma_semaphore, #tpu.memory_space<semaphore_mem>>) attributes {dimension_semantics = [#tpu.dimension_semantics<core_parallel>, #tpu.dimension_semantics<subcore_parallel>], iteration_bounds = array<i64: 2, 16>, scalar_prefetch = 0 : i64, scratch_operands = 15 : i64, tpu.core_type = #tpu.core_type<sc_vector_subcore>, window_params = [{transform_indices = #map}, {transform_indices = #map}, {transform_indices = #map}]} {
    %mul3A = arith.constant 2 : i32
    %mul3A_0 = arith.muli %mul3A, %arg1 : i32
    %mul3A_1 = arith.constant 80 : i32
    %mul3A_2 = arith.muli %mul3A_0, %mul3A_1 : i32
    %mul3A_3 = arith.constant 10240 : i32
    %mul3A_4 = arith.muli %arg0, %mul3A_3 : i32
    %add3A = arith.constant 0 : i32
    %add3A_5 = arith.addi %mul3A_2, %add3A : i32
    %dma_start3A = arith.constant 0 : i32
    %dma_start3A_6 = tpu.memref_slice %arg3[%add3A_5, %dma_start3A] : memref<2560x128xi32, #tpu.memory_space<hbm>> -> memref<2x128xi32, #tpu.memory_space<hbm>>
    %dma_start3A_7 = arith.constant 0 : i32
    %dma_start3A_8 = tpu.memref_slice %arg3[%add3A_5, %dma_start3A_7] : memref<2560x128xi32, #tpu.memory_space<hbm>> -> memref<2x128xi32, #tpu.memory_space<hbm>>
    tpu.enqueue_dma source(%dma_start3A_8 : memref<2x128xi32, #tpu.memory_space<hbm>>) target(%arg8 : memref<2x128xi32, #tpu.memory_space<vmem>>) target_semaphore(%arg16 : memref<!tpu.dma_semaphore, #tpu.memory_space<semaphore_mem>>)
    %add3A_9 = arith.constant 2 : i32
    %add3A_10 = arith.addi %mul3A_2, %add3A_9 : i32
    %dma_start3A_11 = arith.constant 0 : i32
    %dma_start3A_12 = tpu.memref_slice %arg3[%add3A_10, %dma_start3A_11] : memref<2560x128xi32, #tpu.memory_space<hbm>> -> memref<2x128xi32, #tpu.memory_space<hbm>>
    %dma_start3A_13 = arith.constant 0 : i32
    %dma_start3A_14 = tpu.memref_slice %arg3[%add3A_10, %dma_start3A_13] : memref<2560x128xi32, #tpu.memory_space<hbm>> -> memref<2x128xi32, #tpu.memory_space<hbm>>
    tpu.enqueue_dma source(%dma_start3A_14 : memref<2x128xi32, #tpu.memory_space<hbm>>) target(%arg9 : memref<2x128xi32, #tpu.memory_space<vmem>>) target_semaphore(%arg17 : memref<!tpu.dma_semaphore, #tpu.memory_space<semaphore_mem>>)
    %add3A_15 = arith.constant 4 : i32
    %add3A_16 = arith.addi %mul3A_2, %add3A_15 : i32
    %dma_start3A_17 = arith.constant 0 : i32
    %dma_start3A_18 = tpu.memref_slice %arg3[%add3A_16, %dma_start3A_17] : memref<2560x128xi32, #tpu.memory_space<hbm>> -> memref<2x128xi32, #tpu.memory_space<hbm>>
    %dma_start3A_19 = arith.constant 0 : i32
    %dma_start3A_20 = tpu.memref_slice %arg3[%add3A_16, %dma_start3A_19] : memref<2560x128xi32, #tpu.memory_space<hbm>> -> memref<2x128xi32, #tpu.memory_space<hbm>>
    tpu.enqueue_dma source(%dma_start3A_20 : memref<2x128xi32, #tpu.memory_space<hbm>>) target(%arg10 : memref<2x128xi32, #tpu.memory_space<vmem>>) target_semaphore(%arg18 : memref<!tpu.dma_semaphore, #tpu.memory_space<semaphore_mem>>)
    %mul3A_21 = arith.constant 10240 : i32
    %mul3A_22 = arith.muli %arg0, %mul3A_21 : i32
    %mul3A_23 = arith.constant 640 : i32
    %mul3A_24 = arith.muli %arg1, %mul3A_23 : i32
    %add3A_25 = arith.addi %mul3A_22, %mul3A_24 : i32
    %mul3A_26 = arith.constant 640 : i32
    %mul3A_27 = arith.muli %arg1, %mul3A_26 : i32
    "tpu.region"() ({
      %run_scoped3A = tpu.sem_alloc : memref<!tpu.dma_semaphore, #tpu.memory_space<semaphore_mem>>
      %dma_start3A_68 = arith.constant 0 : i32
      %dma_start3A_69 = tpu.memref_slice %arg5[%mul3A_27, %dma_start3A_68] : memref<10240x128xf32, #tpu.memory_space<vmem_shared>> -> memref<640x128xf32, #tpu.memory_space<vmem_shared>>
      %dma_start3A_70 = arith.constant 0 : i32
      %dma_start3A_71 = tpu.memref_slice %arg2[%add3A_25, %dma_start3A_70] : memref<20480x128xf32, #tpu.memory_space<hbm>> -> memref<640x128xf32, #tpu.memory_space<hbm>>
      tpu.enqueue_dma source(%dma_start3A_71 : memref<640x128xf32, #tpu.memory_space<hbm>>) target(%dma_start3A_69 : memref<640x128xf32, #tpu.memory_space<vmem_shared>>) target_semaphore(%run_scoped3A : memref<!tpu.dma_semaphore, #tpu.memory_space<semaphore_mem>>)
      %dma_wait3A_72 = arith.constant 0 : i32
      %dma_wait3A_73 = tpu.memref_slice %arg5[%mul3A_27, %dma_wait3A_72] : memref<10240x128xf32, #tpu.memory_space<vmem_shared>> -> memref<640x128xf32, #tpu.memory_space<vmem_shared>>
      %dma_wait3A_74 = arith.constant 0 : i32
      %dma_wait3A_75 = tpu.memref_slice %arg2[%add3A_25, %dma_wait3A_74] : memref<20480x128xf32, #tpu.memory_space<hbm>> -> memref<640x128xf32, #tpu.memory_space<hbm>>
      tpu.wait_dma2 semaphore(%run_scoped3A : memref<!tpu.dma_semaphore, #tpu.memory_space<semaphore_mem>>) src(%dma_wait3A_75 : memref<640x128xf32, #tpu.memory_space<hbm>>) dst(%dma_wait3A_73 : memref<640x128xf32, #tpu.memory_space<vmem_shared>>)
      tpu.yield
    }) : () -> ()
    %add3A_28 = arith.constant 0 : i32
    %add3A_29 = arith.addi %mul3A_2, %add3A_28 : i32
    %dma_wait3A = arith.constant 0 : i32
    %dma_wait3A_30 = tpu.memref_slice %arg3[%add3A_29, %dma_wait3A] : memref<2560x128xi32, #tpu.memory_space<hbm>> -> memref<2x128xi32, #tpu.memory_space<hbm>>
    %dma_wait3A_31 = arith.constant 0 : i32
    %dma_wait3A_32 = tpu.memref_slice %arg3[%add3A_29, %dma_wait3A_31] : memref<2560x128xi32, #tpu.memory_space<hbm>> -> memref<2x128xi32, #tpu.memory_space<hbm>>
    tpu.wait_dma2 semaphore(%arg16 : memref<!tpu.dma_semaphore, #tpu.memory_space<semaphore_mem>>) src(%dma_wait3A_32 : memref<2x128xi32, #tpu.memory_space<hbm>>) dst(%arg8 : memref<2x128xi32, #tpu.memory_space<vmem>>)
    %scan3A = arith.constant 0 : i32
    %scan3A_33 = arith.constant 0 : i32
    %scan3A_34 = arith.constant 8 : i32
    %scan3A_35 = arith.addi %scan3A_33, %scan3A_34 : i32
    %scan3A_36 = arith.constant 1 : i32
    %scan3A_37 = scf.for %scan3A_68 = %scan3A_33 to %scan3A_35 step %scan3A_36 iter_args(%scan3A_69 = %scan3A) -> (i32)  : i32 {
      %mul3A_70 = arith.constant 16 : i32
      %mul3A_71 = arith.muli %scan3A_68, %mul3A_70 : i32
      %get3A = arith.constant 0 : i32
      %get3A_72 = arith.index_cast %get3A : i32 to index
      %get3A_73 = arith.index_cast %mul3A_71 : i32 to index
      %get3A_74 = tpu.vector_load %arg8[%get3A_72, %get3A_73] {strides = array<i32>} : memref<2x128xi32, #tpu.memory_space<vmem>>, vector<1x16xi32>,
      %get3A_75 = vector.shape_cast %get3A_74 : vector<1x16xi32> to vector<16xi32>
      %add3A_76 = vector.broadcast %mul3A_4 : i32 to vector<16xi32>
      %add3A_77 = arith.addi %get3A_75, %add3A_76 : vector<16xi32>
      %mul3A_78 = arith.constant 16 : i32
      %mul3A_79 = arith.muli %scan3A_68, %mul3A_78 : i32
      %swap3A = arith.constant 0 : i32
      %swap3A_80 = arith.index_cast %swap3A : i32 to index
      %swap3A_81 = arith.index_cast %mul3A_79 : i32 to index
      %swap3A_82 = tpu.vector_load %arg8[%swap3A_80, %swap3A_81] {strides = array<i32>} : memref<2x128xi32, #tpu.memory_space<vmem>>, vector<1x16xi32>,
      %swap3A_83 = vector.shape_cast %swap3A_82 : vector<1x16xi32> to vector<16xi32>
      %swap3A_84 = vector.shape_cast %add3A_77 : vector<16xi32> to vector<1x16xi32>
      tpu.vector_store %arg8[%swap3A_80, %swap3A_81], %swap3A_84 {strides = array<i32>} : memref<2x128xi32, #tpu.memory_space<vmem>>, vector<1x16xi32>,
      %scan3A_85 = arith.constant 0 : i32
      scf.yield %scan3A_85 : i32
    }
    %scan3A_38 = arith.constant 8 : i32
    %dma_start3A_39 = arith.constant 0 : i32
    %dma_start3A_40 = arith.constant 0 : i32
    %dma_start3A_41 = tpu.memref_slice %arg8[%dma_start3A_39, %dma_start3A_40] : memref<2x128xi32, #tpu.memory_space<vmem>> -> memref<1x128xi32, #tpu.memory_space<vmem>>
    %dma_start3A_42 = tpu.memref_squeeze %dma_start3A_41 : memref<1x128xi32, #tpu.memory_space<vmem>> -> memref<128xi32, #tpu.memory_space<vmem>>
    %dma_start3A_43 = arith.constant 0 : i32
    %dma_start3A_44 = arith.constant 0 : i32
    %dma_start3A_45 = tpu.memref_slice %arg2[%dma_start3A_43, %dma_start3A_44] : memref<20480x128xf32, #tpu.memory_space<hbm>> -> memref<20480x128xf32, #tpu.memory_space<hbm>>
    tpu.enqueue_indirect_dma source(%dma_start3A_45 : memref<20480x128xf32, #tpu.memory_space<hbm>>) target(%arg6 : memref<128x128xf32, #tpu.memory_space<vmem>>) offsets(%dma_start3A_42 : memref<128xi32, #tpu.memory_space<vmem>>) semaphore(%arg12 : memref<!tpu.dma_semaphore, #tpu.memory_space<semaphore_mem>>)
    %barrier3A = arith.constant 0 : index
    tpu.barrier barrier_id(%barrier3A)
    %scan3A_46 = arith.constant 0 : i32
    %scan3A_47 = arith.constant 0 : i32
    %scan3A_48 = arith.constant 20 : i32
    %scan3A_49 = arith.addi %scan3A_47, %scan3A_48 : i32
    %scan3A_50 = arith.constant 1 : i32
    %scan3A_51 = scf.for %scan3A_68 = %scan3A_47 to %scan3A_49 step %scan3A_50 iter_args(%scan3A_69 = %scan3A_46) -> (i32)  : i32 {
      %mul3A_70 = arith.constant 4 : i32
      %mul3A_71 = arith.muli %mul3A_70, %scan3A_68 : i32
      %dma_wait3A_72 = arith.constant 0 : i32
      %dma_wait3A_73 = arith.constant 0 : i32
      %dma_wait3A_74 = tpu.memref_slice %arg8[%dma_wait3A_72, %dma_wait3A_73] : memref<2x128xi32, #tpu.memory_space<vmem>> -> memref<1x128xi32, #tpu.memory_space<vmem>>
      %dma_wait3A_75 = tpu.memref_squeeze %dma_wait3A_74 : memref<1x128xi32, #tpu.memory_space<vmem>> -> memref<128xi32, #tpu.memory_space<vmem>>
      %dma_wait3A_76 = arith.constant 0 : i32
      %dma_wait3A_77 = arith.constant 0 : i32
      %dma_wait3A_78 = tpu.memref_slice %arg2[%dma_wait3A_76, %dma_wait3A_77] : memref<20480x128xf32, #tpu.memory_space<hbm>> -> memref<20480x128xf32, #tpu.memory_space<hbm>>
      tpu.wait_indirect_dma semaphore(%arg12 : memref<!tpu.dma_semaphore, #tpu.memory_space<semaphore_mem>>) src(%dma_wait3A_78 : memref<20480x128xf32, #tpu.memory_space<hbm>>) dst(%arg6 : memref<128x128xf32, #tpu.memory_space<vmem>>)
      %dma_start3A_79 = arith.constant 1 : i32
      %dma_start3A_80 = arith.constant 0 : i32
      %dma_start3A_81 = tpu.memref_slice %arg8[%dma_start3A_79, %dma_start3A_80] : memref<2x128xi32, #tpu.memory_space<vmem>> -> memref<1x128xi32, #tpu.memory_space<vmem>>
      %dma_start3A_82 = tpu.memref_squeeze %dma_start3A_81 : memref<1x128xi32, #tpu.memory_space<vmem>> -> memref<128xi32, #tpu.memory_space<vmem>>
      %dma_start3A_83 = arith.constant 0 : i32
      %dma_start3A_84 = arith.constant 0 : i32
      %dma_start3A_85 = tpu.memref_slice %arg5[%dma_start3A_83, %dma_start3A_84] : memref<10240x128xf32, #tpu.memory_space<vmem_shared>> -> memref<10240x128xf32, #tpu.memory_space<vmem_shared>>
      tpu.enqueue_indirect_dma source(%arg6 : memref<128x128xf32, #tpu.memory_space<vmem>>) target(%dma_start3A_85 : memref<10240x128xf32, #tpu.memory_space<vmem_shared>>) offsets(%dma_start3A_82 : memref<128xi32, #tpu.memory_space<vmem>>) semaphore(%arg14 : memref<!tpu.dma_semaphore, #tpu.memory_space<semaphore_mem>>) {add = true}
      %gt3A = arith.constant 0 : i32
      %gt3A_86 = arith.cmpi sgt, %mul3A_71, %gt3A : i32
      %convert_element_type3A = arith.extui %gt3A_86 : i1 to i32
      %cond3A = arith.constant 0 : i32
      %cond3A_87 = arith.cmpi ne, %convert_element_type3A, %cond3A : i32
      scf.if %cond3A_87 {
        %dma_wait3A_263 = arith.constant 1 : i32
        %dma_wait3A_264 = arith.constant 0 : i32
        %dma_wait3A_265 = tpu.memref_slice %arg11[%dma_wait3A_263, %dma_wait3A_264] : memref<2x128xi32, #tpu.memory_space<vmem>> -> memref<1x128xi32, #tpu.memory_space<vmem>>
        %dma_wait3A_266 = tpu.memref_squeeze %dma_wait3A_265 : memref<1x128xi32, #tpu.memory_space<vmem>> -> memref<128xi32, #tpu.memory_space<vmem>>
        %dma_wait3A_267 = arith.constant 0 : i32
        %dma_wait3A_268 = arith.constant 0 : i32
        %dma_wait3A_269 = tpu.memref_slice %arg5[%dma_wait3A_267, %dma_wait3A_268] : memref<10240x128xf32, #tpu.memory_space<vmem_shared>> -> memref<10240x128xf32, #tpu.memory_space<vmem_shared>>
        tpu.wait_indirect_dma semaphore(%arg15 : memref<!tpu.dma_semaphore, #tpu.memory_space<semaphore_mem>>) src(%arg7 : memref<128x128xf32, #tpu.memory_space<vmem>>) dst(%dma_wait3A_269 : memref<10240x128xf32, #tpu.memory_space<vmem_shared>>)
      } else {
      }
      %add3A_88 = arith.constant 3 : i32
      %add3A_89 = arith.addi %mul3A_71, %add3A_88 : i32
      %mul3A_90 = arith.constant 2 : i32
      %mul3A_91 = arith.muli %mul3A_90, %add3A_89 : i32
      %add3A_92 = arith.addi %mul3A_2, %mul3A_91 : i32
      %dma_start3A_93 = arith.constant 0 : i32
      %dma_start3A_94 = tpu.memref_slice %arg3[%add3A_92, %dma_start3A_93] : memref<2560x128xi32, #tpu.memory_space<hbm>> -> memref<2x128xi32, #tpu.memory_space<hbm>>
      %dma_start3A_95 = arith.constant 0 : i32
      %dma_start3A_96 = tpu.memref_slice %arg3[%add3A_92, %dma_start3A_95] : memref<2560x128xi32, #tpu.memory_space<hbm>> -> memref<2x128xi32, #tpu.memory_space<hbm>>
      tpu.enqueue_dma source(%dma_start3A_96 : memref<2x128xi32, #tpu.memory_space<hbm>>) target(%arg11 : memref<2x128xi32, #tpu.memory_space<vmem>>) target_semaphore(%arg19 : memref<!tpu.dma_semaphore, #tpu.memory_space<semaphore_mem>>)
      %add3A_97 = arith.constant 1 : i32
      %add3A_98 = arith.addi %mul3A_71, %add3A_97 : i32
      %mul3A_99 = arith.constant 2 : i32
      %mul3A_100 = arith.muli %mul3A_99, %add3A_98 : i32
      %add3A_101 = arith.addi %mul3A_2, %mul3A_100 : i32
      %dma_wait3A_102 = arith.constant 0 : i32
      %dma_wait3A_103 = tpu.memref_slice %arg3[%add3A_101, %dma_wait3A_102] : memref<2560x128xi32, #tpu.memory_space<hbm>> -> memref<2x128xi32, #tpu.memory_space<hbm>>
      %dma_wait3A_104 = arith.constant 0 : i32
      %dma_wait3A_105 = tpu.memref_slice %arg3[%add3A_101, %dma_wait3A_104] : memref<2560x128xi32, #tpu.memory_space<hbm>> -> memref<2x128xi32, #tpu.memory_space<hbm>>
      tpu.wait_dma2 semaphore(%arg17 : memref<!tpu.dma_semaphore, #tpu.memory_space<semaphore_mem>>) src(%dma_wait3A_105 : memref<2x128xi32, #tpu.memory_space<hbm>>) dst(%arg9 : memref<2x128xi32, #tpu.memory_space<vmem>>)
      %scan3A_106 = arith.constant 0 : i32
      %scan3A_107 = arith.constant 0 : i32
      %scan3A_108 = arith.constant 8 : i32
      %scan3A_109 = arith.addi %scan3A_107, %scan3A_108 : i32
      %scan3A_110 = arith.constant 1 : i32
      %scan3A_111 = scf.for %scan3A_263 = %scan3A_107 to %scan3A_109 step %scan3A_110 iter_args(%scan3A_264 = %scan3A_106) -> (i32)  : i32 {
        %mul3A_265 = arith.constant 16 : i32
        %mul3A_266 = arith.muli %scan3A_263, %mul3A_265 : i32
        %get3A = arith.constant 0 : i32
        %get3A_267 = arith.index_cast %get3A : i32 to index
        %get3A_268 = arith.index_cast %mul3A_266 : i32 to index
        %get3A_269 = tpu.vector_load %arg9[%get3A_267, %get3A_268] {strides = array<i32>} : memref<2x128xi32, #tpu.memory_space<vmem>>, vector<1x16xi32>,
        %get3A_270 = vector.shape_cast %get3A_269 : vector<1x16xi32> to vector<16xi32>
        %add3A_271 = vector.broadcast %mul3A_4 : i32 to vector<16xi32>
        %add3A_272 = arith.addi %get3A_270, %add3A_271 : vector<16xi32>
        %mul3A_273 = arith.constant 16 : i32
        %mul3A_274 = arith.muli %scan3A_263, %mul3A_273 : i32
        %swap3A = arith.constant 0 : i32
        %swap3A_275 = arith.index_cast %swap3A : i32 to index
        %swap3A_276 = arith.index_cast %mul3A_274 : i32 to index
        %swap3A_277 = tpu.vector_load %arg9[%swap3A_275, %swap3A_276] {strides = array<i32>} : memref<2x128xi32, #tpu.memory_space<vmem>>, vector<1x16xi32>,
        %swap3A_278 = vector.shape_cast %swap3A_277 : vector<1x16xi32> to vector<16xi32>
        %swap3A_279 = vector.shape_cast %add3A_272 : vector<16xi32> to vector<1x16xi32>
        tpu.vector_store %arg9[%swap3A_275, %swap3A_276], %swap3A_279 {strides = array<i32>} : memref<2x128xi32, #tpu.memory_space<vmem>>, vector<1x16xi32>,
        %scan3A_280 = arith.constant 0 : i32
        scf.yield %scan3A_280 : i32
      }
      %scan3A_112 = arith.constant 8 : i32
      %dma_start3A_113 = arith.constant 0 : i32
      %dma_start3A_114 = arith.constant 0 : i32
      %dma_start3A_115 = tpu.memref_slice %arg9[%dma_start3A_113, %dma_start3A_114] : memref<2x128xi32, #tpu.memory_space<vmem>> -> memref<1x128xi32, #tpu.memory_space<vmem>>
      %dma_start3A_116 = tpu.memref_squeeze %dma_start3A_115 : memref<1x128xi32, #tpu.memory_space<vmem>> -> memref<128xi32, #tpu.memory_space<vmem>>
      %dma_start3A_117 = arith.constant 0 : i32
      %dma_start3A_118 = arith.constant 0 : i32
      %dma_start3A_119 = tpu.memref_slice %arg2[%dma_start3A_117, %dma_start3A_118] : memref<20480x128xf32, #tpu.memory_space<hbm>> -> memref<20480x128xf32, #tpu.memory_space<hbm>>
      tpu.enqueue_indirect_dma source(%dma_start3A_119 : memref<20480x128xf32, #tpu.memory_space<hbm>>) target(%arg7 : memref<128x128xf32, #tpu.memory_space<vmem>>) offsets(%dma_start3A_116 : memref<128xi32, #tpu.memory_space<vmem>>) semaphore(%arg13 : memref<!tpu.dma_semaphore, #tpu.memory_space<semaphore_mem>>)
      %add3A_120 = arith.constant 1 : i32
      %add3A_121 = arith.addi %mul3A_71, %add3A_120 : i32
      %dma_wait3A_122 = arith.constant 0 : i32
      %dma_wait3A_123 = arith.constant 0 : i32
      %dma_wait3A_124 = tpu.memref_slice %arg9[%dma_wait3A_122, %dma_wait3A_123] : memref<2x128xi32, #tpu.memory_space<vmem>> -> memref<1x128xi32, #tpu.memory_space<vmem>>
      %dma_wait3A_125 = tpu.memref_squeeze %dma_wait3A_124 : memref<1x128xi32, #tpu.memory_space<vmem>> -> memref<128xi32, #tpu.memory_space<vmem>>
      %dma_wait3A_126 = arith.constant 0 : i32
      %dma_wait3A_127 = arith.constant 0 : i32
      %dma_wait3A_128 = tpu.memref_slice %arg2[%dma_wait3A_126, %dma_wait3A_127] : memref<20480x128xf32, #tpu.memory_space<hbm>> -> memref<20480x128xf32, #tpu.memory_space<hbm>>
      tpu.wait_indirect_dma semaphore(%arg13 : memref<!tpu.dma_semaphore, #tpu.memory_space<semaphore_mem>>) src(%dma_wait3A_128 : memref<20480x128xf32, #tpu.memory_space<hbm>>) dst(%arg7 : memref<128x128xf32, #tpu.memory_space<vmem>>)
      %dma_start3A_129 = arith.constant 1 : i32
      %dma_start3A_130 = arith.constant 0 : i32
      %dma_start3A_131 = tpu.memref_slice %arg9[%dma_start3A_129, %dma_start3A_130] : memref<2x128xi32, #tpu.memory_space<vmem>> -> memref<1x128xi32, #tpu.memory_space<vmem>>
      %dma_start3A_132 = tpu.memref_squeeze %dma_start3A_131 : memref<1x128xi32, #tpu.memory_space<vmem>> -> memref<128xi32, #tpu.memory_space<vmem>>
      %dma_start3A_133 = arith.constant 0 : i32
      %dma_start3A_134 = arith.constant 0 : i32
      %dma_start3A_135 = tpu.memref_slice %arg5[%dma_start3A_133, %dma_start3A_134] : memref<10240x128xf32, #tpu.memory_space<vmem_shared>> -> memref<10240x128xf32, #tpu.memory_space<vmem_shared>>
      tpu.enqueue_indirect_dma source(%arg7 : memref<128x128xf32, #tpu.memory_space<vmem>>) target(%dma_start3A_135 : memref<10240x128xf32, #tpu.memory_space<vmem_shared>>) offsets(%dma_start3A_132 : memref<128xi32, #tpu.memory_space<vmem>>) semaphore(%arg15 : memref<!tpu.dma_semaphore, #tpu.memory_space<semaphore_mem>>) {add = true}
      %dma_wait3A_136 = arith.constant 1 : i32
      %dma_wait3A_137 = arith.constant 0 : i32
      %dma_wait3A_138 = tpu.memref_slice %arg8[%dma_wait3A_136, %dma_wait3A_137] : memref<2x128xi32, #tpu.memory_space<vmem>> -> memref<1x128xi32, #tpu.memory_space<vmem>>
      %dma_wait3A_139 = tpu.memref_squeeze %dma_wait3A_138 : memref<1x128xi32, #tpu.memory_space<vmem>> -> memref<128xi32, #tpu.memory_space<vmem>>
      %dma_wait3A_140 = arith.constant 0 : i32
      %dma_wait3A_141 = arith.constant 0 : i32
      %dma_wait3A_142 = tpu.memref_slice %arg5[%dma_wait3A_140, %dma_wait3A_141] : memref<10240x128xf32, #tpu.memory_space<vmem_shared>> -> memref<10240x128xf32, #tpu.memory_space<vmem_shared>>
      tpu.wait_indirect_dma semaphore(%arg14 : memref<!tpu.dma_semaphore, #tpu.memory_space<semaphore_mem>>) src(%arg6 : memref<128x128xf32, #tpu.memory_space<vmem>>) dst(%dma_wait3A_142 : memref<10240x128xf32, #tpu.memory_space<vmem_shared>>)
      %add3A_143 = arith.constant 3 : i32
      %add3A_144 = arith.addi %add3A_121, %add3A_143 : i32
      %lt3A = arith.constant 80 : i32
      %lt3A_145 = arith.cmpi slt, %add3A_144, %lt3A : i32
      %convert_element_type3A_146 = arith.extui %lt3A_145 : i1 to i32
      %cond3A_147 = arith.constant 0 : i32
      %cond3A_148 = arith.cmpi ne, %convert_element_type3A_146, %cond3A_147 : i32
      scf.if %cond3A_148 {
        %add3A_263 = arith.constant 3 : i32
        %add3A_264 = arith.addi %add3A_121, %add3A_263 : i32
        %mul3A_265 = arith.constant 2 : i32
        %mul3A_266 = arith.muli %mul3A_265, %add3A_264 : i32
        %add3A_267 = arith.addi %mul3A_2, %mul3A_266 : i32
        %dma_start3A_268 = arith.constant 0 : i32
        %dma_start3A_269 = tpu.memref_slice %arg3[%add3A_267, %dma_start3A_268] : memref<2560x128xi32, #tpu.memory_space<hbm>> -> memref<2x128xi32, #tpu.memory_space<hbm>>
        %dma_start3A_270 = arith.constant 0 : i32
        %dma_start3A_271 = tpu.memref_slice %arg3[%add3A_267, %dma_start3A_270] : memref<2560x128xi32, #tpu.memory_space<hbm>> -> memref<2x128xi32, #tpu.memory_space<hbm>>
        tpu.enqueue_dma source(%dma_start3A_271 : memref<2x128xi32, #tpu.memory_space<hbm>>) target(%arg8 : memref<2x128xi32, #tpu.memory_space<vmem>>) target_semaphore(%arg16 : memref<!tpu.dma_semaphore, #tpu.memory_space<semaphore_mem>>)
      } else {
      }
      %add3A_149 = arith.constant 1 : i32
      %add3A_150 = arith.addi %add3A_121, %add3A_149 : i32
      %mul3A_151 = arith.constant 2 : i32
      %mul3A_152 = arith.muli %mul3A_151, %add3A_150 : i32
      %add3A_153 = arith.addi %mul3A_2, %mul3A_152 : i32
      %dma_wait3A_154 = arith.constant 0 : i32
      %dma_wait3A_155 = tpu.memref_slice %arg3[%add3A_153, %dma_wait3A_154] : memref<2560x128xi32, #tpu.memory_space<hbm>> -> memref<2x128xi32, #tpu.memory_space<hbm>>
      %dma_wait3A_156 = arith.constant 0 : i32
      %dma_wait3A_157 = tpu.memref_slice %arg3[%add3A_153, %dma_wait3A_156] : memref<2560x128xi32, #tpu.memory_space<hbm>> -> memref<2x128xi32, #tpu.memory_space<hbm>>
      tpu.wait_dma2 semaphore(%arg18 : memref<!tpu.dma_semaphore, #tpu.memory_space<semaphore_mem>>) src(%dma_wait3A_157 : memref<2x128xi32, #tpu.memory_space<hbm>>) dst(%arg10 : memref<2x128xi32, #tpu.memory_space<vmem>>)
      %scan3A_158 = arith.constant 0 : i32
      %scan3A_159 = arith.constant 0 : i32
      %scan3A_160 = arith.constant 8 : i32
      %scan3A_161 = arith.addi %scan3A_159, %scan3A_160 : i32
      %scan3A_162 = arith.constant 1 : i32
      %scan3A_163 = scf.for %scan3A_263 = %scan3A_159 to %scan3A_161 step %scan3A_162 iter_args(%scan3A_264 = %scan3A_158) -> (i32)  : i32 {
        %mul3A_265 = arith.constant 16 : i32
        %mul3A_266 = arith.muli %scan3A_263, %mul3A_265 : i32
        %get3A = arith.constant 0 : i32
        %get3A_267 = arith.index_cast %get3A : i32 to index
        %get3A_268 = arith.index_cast %mul3A_266 : i32 to index
        %get3A_269 = tpu.vector_load %arg10[%get3A_267, %get3A_268] {strides = array<i32>} : memref<2x128xi32, #tpu.memory_space<vmem>>, vector<1x16xi32>,
        %get3A_270 = vector.shape_cast %get3A_269 : vector<1x16xi32> to vector<16xi32>
        %add3A_271 = vector.broadcast %mul3A_4 : i32 to vector<16xi32>
        %add3A_272 = arith.addi %get3A_270, %add3A_271 : vector<16xi32>
        %mul3A_273 = arith.constant 16 : i32
        %mul3A_274 = arith.muli %scan3A_263, %mul3A_273 : i32
        %swap3A = arith.constant 0 : i32
        %swap3A_275 = arith.index_cast %swap3A : i32 to index
        %swap3A_276 = arith.index_cast %mul3A_274 : i32 to index
        %swap3A_277 = tpu.vector_load %arg10[%swap3A_275, %swap3A_276] {strides = array<i32>} : memref<2x128xi32, #tpu.memory_space<vmem>>, vector<1x16xi32>,
        %swap3A_278 = vector.shape_cast %swap3A_277 : vector<1x16xi32> to vector<16xi32>
        %swap3A_279 = vector.shape_cast %add3A_272 : vector<16xi32> to vector<1x16xi32>
        tpu.vector_store %arg10[%swap3A_275, %swap3A_276], %swap3A_279 {strides = array<i32>} : memref<2x128xi32, #tpu.memory_space<vmem>>, vector<1x16xi32>,
        %scan3A_280 = arith.constant 0 : i32
        scf.yield %scan3A_280 : i32
      }
      %scan3A_164 = arith.constant 8 : i32
      %dma_start3A_165 = arith.constant 0 : i32
      %dma_start3A_166 = arith.constant 0 : i32
      %dma_start3A_167 = tpu.memref_slice %arg10[%dma_start3A_165, %dma_start3A_166] : memref<2x128xi32, #tpu.memory_space<vmem>> -> memref<1x128xi32, #tpu.memory_space<vmem>>
      %dma_start3A_168 = tpu.memref_squeeze %dma_start3A_167 : memref<1x128xi32, #tpu.memory_space<vmem>> -> memref<128xi32, #tpu.memory_space<vmem>>
      %dma_start3A_169 = arith.constant 0 : i32
      %dma_start3A_170 = arith.constant 0 : i32
      %dma_start3A_171 = tpu.memref_slice %arg2[%dma_start3A_169, %dma_start3A_170] : memref<20480x128xf32, #tpu.memory_space<hbm>> -> memref<20480x128xf32, #tpu.memory_space<hbm>>
      tpu.enqueue_indirect_dma source(%dma_start3A_171 : memref<20480x128xf32, #tpu.memory_space<hbm>>) target(%arg6 : memref<128x128xf32, #tpu.memory_space<vmem>>) offsets(%dma_start3A_168 : memref<128xi32, #tpu.memory_space<vmem>>) semaphore(%arg12 : memref<!tpu.dma_semaphore, #tpu.memory_space<semaphore_mem>>)
      %add3A_172 = arith.constant 2 : i32
      %add3A_173 = arith.addi %mul3A_71, %add3A_172 : i32
      %dma_wait3A_174 = arith.constant 0 : i32
      %dma_wait3A_175 = arith.constant 0 : i32
      %dma_wait3A_176 = tpu.memref_slice %arg10[%dma_wait3A_174, %dma_wait3A_175] : memref<2x128xi32, #tpu.memory_space<vmem>> -> memref<1x128xi32, #tpu.memory_space<vmem>>
      %dma_wait3A_177 = tpu.memref_squeeze %dma_wait3A_176 : memref<1x128xi32, #tpu.memory_space<vmem>> -> memref<128xi32, #tpu.memory_space<vmem>>
      %dma_wait3A_178 = arith.constant 0 : i32
      %dma_wait3A_179 = arith.constant 0 : i32
      %dma_wait3A_180 = tpu.memref_slice %arg2[%dma_wait3A_178, %dma_wait3A_179] : memref<20480x128xf32, #tpu.memory_space<hbm>> -> memref<20480x128xf32, #tpu.memory_space<hbm>>
      tpu.wait_indirect_dma semaphore(%arg12 : memref<!tpu.dma_semaphore, #tpu.memory_space<semaphore_mem>>) src(%dma_wait3A_180 : memref<20480x128xf32, #tpu.memory_space<hbm>>) dst(%arg6 : memref<128x128xf32, #tpu.memory_space<vmem>>)
      %dma_start3A_181 = arith.constant 1 : i32
      %dma_start3A_182 = arith.constant 0 : i32
      %dma_start3A_183 = tpu.memref_slice %arg10[%dma_start3A_181, %dma_start3A_182] : memref<2x128xi32, #tpu.memory_space<vmem>> -> memref<1x128xi32, #tpu.memory_space<vmem>>
      %dma_start3A_184 = tpu.memref_squeeze %dma_start3A_183 : memref<1x128xi32, #tpu.memory_space<vmem>> -> memref<128xi32, #tpu.memory_space<vmem>>
      %dma_start3A_185 = arith.constant 0 : i32
      %dma_start3A_186 = arith.constant 0 : i32
      %dma_start3A_187 = tpu.memref_slice %arg5[%dma_start3A_185, %dma_start3A_186] : memref<10240x128xf32, #tpu.memory_space<vmem_shared>> -> memref<10240x128xf32, #tpu.memory_space<vmem_shared>>
      tpu.enqueue_indirect_dma source(%arg6 : memref<128x128xf32, #tpu.memory_space<vmem>>) target(%dma_start3A_187 : memref<10240x128xf32, #tpu.memory_space<vmem_shared>>) offsets(%dma_start3A_184 : memref<128xi32, #tpu.memory_space<vmem>>) semaphore(%arg14 : memref<!tpu.dma_semaphore, #tpu.memory_space<semaphore_mem>>) {add = true}
      %dma_wait3A_188 = arith.constant 1 : i32
      %dma_wait3A_189 = arith.constant 0 : i32
      %dma_wait3A_190 = tpu.memref_slice %arg9[%dma_wait3A_188, %dma_wait3A_189] : memref<2x128xi32, #tpu.memory_space<vmem>> -> memref<1x128xi32, #tpu.memory_space<vmem>>
      %dma_wait3A_191 = tpu.memref_squeeze %dma_wait3A_190 : memref<1x128xi32, #tpu.memory_space<vmem>> -> memref<128xi32, #tpu.memory_space<vmem>>
      %dma_wait3A_192 = arith.constant 0 : i32
      %dma_wait3A_193 = arith.constant 0 : i32
      %dma_wait3A_194 = tpu.memref_slice %arg5[%dma_wait3A_192, %dma_wait3A_193] : memref<10240x128xf32, #tpu.memory_space<vmem_shared>> -> memref<10240x128xf32, #tpu.memory_space<vmem_shared>>
      tpu.wait_indirect_dma semaphore(%arg15 : memref<!tpu.dma_semaphore, #tpu.memory_space<semaphore_mem>>) src(%arg7 : memref<128x128xf32, #tpu.memory_space<vmem>>) dst(%dma_wait3A_194 : memref<10240x128xf32, #tpu.memory_space<vmem_shared>>)
      %add3A_195 = arith.constant 3 : i32
      %add3A_196 = arith.addi %add3A_173, %add3A_195 : i32
      %lt3A_197 = arith.constant 80 : i32
      %lt3A_198 = arith.cmpi slt, %add3A_196, %lt3A_197 : i32
      %convert_element_type3A_199 = arith.extui %lt3A_198 : i1 to i32
      %cond3A_200 = arith.constant 0 : i32
      %cond3A_201 = arith.cmpi ne, %convert_element_type3A_199, %cond3A_200 : i32
      scf.if %cond3A_201 {
        %add3A_263 = arith.constant 3 : i32
        %add3A_264 = arith.addi %add3A_173, %add3A_263 : i32
        %mul3A_265 = arith.constant 2 : i32
        %mul3A_266 = arith.muli %mul3A_265, %add3A_264 : i32
        %add3A_267 = arith.addi %mul3A_2, %mul3A_266 : i32
        %dma_start3A_268 = arith.constant 0 : i32
        %dma_start3A_269 = tpu.memref_slice %arg3[%add3A_267, %dma_start3A_268] : memref<2560x128xi32, #tpu.memory_space<hbm>> -> memref<2x128xi32, #tpu.memory_space<hbm>>
        %dma_start3A_270 = arith.constant 0 : i32
        %dma_start3A_271 = tpu.memref_slice %arg3[%add3A_267, %dma_start3A_270] : memref<2560x128xi32, #tpu.memory_space<hbm>> -> memref<2x128xi32, #tpu.memory_space<hbm>>
        tpu.enqueue_dma source(%dma_start3A_271 : memref<2x128xi32, #tpu.memory_space<hbm>>) target(%arg9 : memref<2x128xi32, #tpu.memory_space<vmem>>) target_semaphore(%arg17 : memref<!tpu.dma_semaphore, #tpu.memory_space<semaphore_mem>>)
      } else {
      }
      %add3A_202 = arith.constant 1 : i32
      %add3A_203 = arith.addi %add3A_173, %add3A_202 : i32
      %mul3A_204 = arith.constant 2 : i32
      %mul3A_205 = arith.muli %mul3A_204, %add3A_203 : i32
      %add3A_206 = arith.addi %mul3A_2, %mul3A_205 : i32
      %dma_wait3A_207 = arith.constant 0 : i32
      %dma_wait3A_208 = tpu.memref_slice %arg3[%add3A_206, %dma_wait3A_207] : memref<2560x128xi32, #tpu.memory_space<hbm>> -> memref<2x128xi32, #tpu.memory_space<hbm>>
      %dma_wait3A_209 = arith.constant 0 : i32
      %dma_wait3A_210 = tpu.memref_slice %arg3[%add3A_206, %dma_wait3A_209] : memref<2560x128xi32, #tpu.memory_space<hbm>> -> memref<2x128xi32, #tpu.memory_space<hbm>>
      tpu.wait_dma2 semaphore(%arg19 : memref<!tpu.dma_semaphore, #tpu.memory_space<semaphore_mem>>) src(%dma_wait3A_210 : memref<2x128xi32, #tpu.memory_space<hbm>>) dst(%arg11 : memref<2x128xi32, #tpu.memory_space<vmem>>)
      %scan3A_211 = arith.constant 0 : i32
      %scan3A_212 = arith.constant 0 : i32
      %scan3A_213 = arith.constant 8 : i32
      %scan3A_214 = arith.addi %scan3A_212, %scan3A_213 : i32
      %scan3A_215 = arith.constant 1 : i32
      %scan3A_216 = scf.for %scan3A_263 = %scan3A_212 to %scan3A_214 step %scan3A_215 iter_args(%scan3A_264 = %scan3A_211) -> (i32)  : i32 {
        %mul3A_265 = arith.constant 16 : i32
        %mul3A_266 = arith.muli %scan3A_263, %mul3A_265 : i32
        %get3A = arith.constant 0 : i32
        %get3A_267 = arith.index_cast %get3A : i32 to index
        %get3A_268 = arith.index_cast %mul3A_266 : i32 to index
        %get3A_269 = tpu.vector_load %arg11[%get3A_267, %get3A_268] {strides = array<i32>} : memref<2x128xi32, #tpu.memory_space<vmem>>, vector<1x16xi32>,
        %get3A_270 = vector.shape_cast %get3A_269 : vector<1x16xi32> to vector<16xi32>
        %add3A_271 = vector.broadcast %mul3A_4 : i32 to vector<16xi32>
        %add3A_272 = arith.addi %get3A_270, %add3A_271 : vector<16xi32>
        %mul3A_273 = arith.constant 16 : i32
        %mul3A_274 = arith.muli %scan3A_263, %mul3A_273 : i32
        %swap3A = arith.constant 0 : i32
        %swap3A_275 = arith.index_cast %swap3A : i32 to index
        %swap3A_276 = arith.index_cast %mul3A_274 : i32 to index
        %swap3A_277 = tpu.vector_load %arg11[%swap3A_275, %swap3A_276] {strides = array<i32>} : memref<2x128xi32, #tpu.memory_space<vmem>>, vector<1x16xi32>,
        %swap3A_278 = vector.shape_cast %swap3A_277 : vector<1x16xi32> to vector<16xi32>
        %swap3A_279 = vector.shape_cast %add3A_272 : vector<16xi32> to vector<1x16xi32>
        tpu.vector_store %arg11[%swap3A_275, %swap3A_276], %swap3A_279 {strides = array<i32>} : memref<2x128xi32, #tpu.memory_space<vmem>>, vector<1x16xi32>,
        %scan3A_280 = arith.constant 0 : i32
        scf.yield %scan3A_280 : i32
      }
      %scan3A_217 = arith.constant 8 : i32
      %dma_start3A_218 = arith.constant 0 : i32
      %dma_start3A_219 = arith.constant 0 : i32
      %dma_start3A_220 = tpu.memref_slice %arg11[%dma_start3A_218, %dma_start3A_219] : memref<2x128xi32, #tpu.memory_space<vmem>> -> memref<1x128xi32, #tpu.memory_space<vmem>>
      %dma_start3A_221 = tpu.memref_squeeze %dma_start3A_220 : memref<1x128xi32, #tpu.memory_space<vmem>> -> memref<128xi32, #tpu.memory_space<vmem>>
      %dma_start3A_222 = arith.constant 0 : i32
      %dma_start3A_223 = arith.constant 0 : i32
      %dma_start3A_224 = tpu.memref_slice %arg2[%dma_start3A_222, %dma_start3A_223] : memref<20480x128xf32, #tpu.memory_space<hbm>> -> memref<20480x128xf32, #tpu.memory_space<hbm>>
      tpu.enqueue_indirect_dma source(%dma_start3A_224 : memref<20480x128xf32, #tpu.memory_space<hbm>>) target(%arg7 : memref<128x128xf32, #tpu.memory_space<vmem>>) offsets(%dma_start3A_221 : memref<128xi32, #tpu.memory_space<vmem>>) semaphore(%arg13 : memref<!tpu.dma_semaphore, #tpu.memory_space<semaphore_mem>>)
      %add3A_225 = arith.constant 3 : i32
      %add3A_226 = arith.addi %mul3A_71, %add3A_225 : i32
      %dma_wait3A_227 = arith.constant 0 : i32
      %dma_wait3A_228 = arith.constant 0 : i32
      %dma_wait3A_229 = tpu.memref_slice %arg11[%dma_wait3A_227, %dma_wait3A_228] : memref<2x128xi32, #tpu.memory_space<vmem>> -> memref<1x128xi32, #tpu.memory_space<vmem>>
      %dma_wait3A_230 = tpu.memref_squeeze %dma_wait3A_229 : memref<1x128xi32, #tpu.memory_space<vmem>> -> memref<128xi32, #tpu.memory_space<vmem>>
      %dma_wait3A_231 = arith.constant 0 : i32
      %dma_wait3A_232 = arith.constant 0 : i32
      %dma_wait3A_233 = tpu.memref_slice %arg2[%dma_wait3A_231, %dma_wait3A_232] : memref<20480x128xf32, #tpu.memory_space<hbm>> -> memref<20480x128xf32, #tpu.memory_space<hbm>>
      tpu.wait_indirect_dma semaphore(%arg13 : memref<!tpu.dma_semaphore, #tpu.memory_space<semaphore_mem>>) src(%dma_wait3A_233 : memref<20480x128xf32, #tpu.memory_space<hbm>>) dst(%arg7 : memref<128x128xf32, #tpu.memory_space<vmem>>)
      %dma_start3A_234 = arith.constant 1 : i32
      %dma_start3A_235 = arith.constant 0 : i32
      %dma_start3A_236 = tpu.memref_slice %arg11[%dma_start3A_234, %dma_start3A_235] : memref<2x128xi32, #tpu.memory_space<vmem>> -> memref<1x128xi32, #tpu.memory_space<vmem>>
      %dma_start3A_237 = tpu.memref_squeeze %dma_start3A_236 : memref<1x128xi32, #tpu.memory_space<vmem>> -> memref<128xi32, #tpu.memory_space<vmem>>
      %dma_start3A_238 = arith.constant 0 : i32
      %dma_start3A_239 = arith.constant 0 : i32
      %dma_start3A_240 = tpu.memref_slice %arg5[%dma_start3A_238, %dma_start3A_239] : memref<10240x128xf32, #tpu.memory_space<vmem_shared>> -> memref<10240x128xf32, #tpu.memory_space<vmem_shared>>
      tpu.enqueue_indirect_dma source(%arg7 : memref<128x128xf32, #tpu.memory_space<vmem>>) target(%dma_start3A_240 : memref<10240x128xf32, #tpu.memory_space<vmem_shared>>) offsets(%dma_start3A_237 : memref<128xi32, #tpu.memory_space<vmem>>) semaphore(%arg15 : memref<!tpu.dma_semaphore, #tpu.memory_space<semaphore_mem>>) {add = true}
      %dma_wait3A_241 = arith.constant 1 : i32
      %dma_wait3A_242 = arith.constant 0 : i32
      %dma_wait3A_243 = tpu.memref_slice %arg10[%dma_wait3A_241, %dma_wait3A_242] : memref<2x128xi32, #tpu.memory_space<vmem>> -> memref<1x128xi32, #tpu.memory_space<vmem>>
      %dma_wait3A_244 = tpu.memref_squeeze %dma_wait3A_243 : memref<1x128xi32, #tpu.memory_space<vmem>> -> memref<128xi32, #tpu.memory_space<vmem>>
      %dma_wait3A_245 = arith.constant 0 : i32
      %dma_wait3A_246 = arith.constant 0 : i32
      %dma_wait3A_247 = tpu.memref_slice %arg5[%dma_wait3A_245, %dma_wait3A_246] : memref<10240x128xf32, #tpu.memory_space<vmem_shared>> -> memref<10240x128xf32, #tpu.memory_space<vmem_shared>>
      tpu.wait_indirect_dma semaphore(%arg14 : memref<!tpu.dma_semaphore, #tpu.memory_space<semaphore_mem>>) src(%arg6 : memref<128x128xf32, #tpu.memory_space<vmem>>) dst(%dma_wait3A_247 : memref<10240x128xf32, #tpu.memory_space<vmem_shared>>)
      %add3A_248 = arith.constant 3 : i32
      %add3A_249 = arith.addi %add3A_226, %add3A_248 : i32
      %lt3A_250 = arith.constant 80 : i32
      %lt3A_251 = arith.cmpi slt, %add3A_249, %lt3A_250 : i32
      %convert_element_type3A_252 = arith.extui %lt3A_251 : i1 to i32
      %cond3A_253 = arith.constant 0 : i32
      %cond3A_254 = arith.cmpi ne, %convert_element_type3A_252, %cond3A_253 : i32
      scf.if %cond3A_254 {
        %add3A_263 = arith.constant 3 : i32
        %add3A_264 = arith.addi %add3A_226, %add3A_263 : i32
        %mul3A_265 = arith.constant 2 : i32
        %mul3A_266 = arith.muli %mul3A_265, %add3A_264 : i32
        %add3A_267 = arith.addi %mul3A_2, %mul3A_266 : i32
        %dma_start3A_268 = arith.constant 0 : i32
        %dma_start3A_269 = tpu.memref_slice %arg3[%add3A_267, %dma_start3A_268] : memref<2560x128xi32, #tpu.memory_space<hbm>> -> memref<2x128xi32, #tpu.memory_space<hbm>>
        %dma_start3A_270 = arith.constant 0 : i32
        %dma_start3A_271 = tpu.memref_slice %arg3[%add3A_267, %dma_start3A_270] : memref<2560x128xi32, #tpu.memory_space<hbm>> -> memref<2x128xi32, #tpu.memory_space<hbm>>
        tpu.enqueue_dma source(%dma_start3A_271 : memref<2x128xi32, #tpu.memory_space<hbm>>) target(%arg10 : memref<2x128xi32, #tpu.memory_space<vmem>>) target_semaphore(%arg18 : memref<!tpu.dma_semaphore, #tpu.memory_space<semaphore_mem>>)
      } else {
      }
      %add3A_255 = arith.constant 1 : i32
      %add3A_256 = arith.addi %add3A_226, %add3A_255 : i32
      %lt3A_257 = arith.constant 80 : i32
      %lt3A_258 = arith.cmpi slt, %add3A_256, %lt3A_257 : i32
      %convert_element_type3A_259 = arith.extui %lt3A_258 : i1 to i32
      %cond3A_260 = arith.constant 0 : i32
      %cond3A_261 = arith.cmpi ne, %convert_element_type3A_259, %cond3A_260 : i32
      scf.if %cond3A_261 {
        %add3A_263 = arith.constant 1 : i32
        %add3A_264 = arith.addi %add3A_226, %add3A_263 : i32
        %mul3A_265 = arith.constant 2 : i32
        %mul3A_266 = arith.muli %mul3A_265, %add3A_264 : i32
        %add3A_267 = arith.addi %mul3A_2, %mul3A_266 : i32
        %dma_wait3A_268 = arith.constant 0 : i32
        %dma_wait3A_269 = tpu.memref_slice %arg3[%add3A_267, %dma_wait3A_268] : memref<2560x128xi32, #tpu.memory_space<hbm>> -> memref<2x128xi32, #tpu.memory_space<hbm>>
        %dma_wait3A_270 = arith.constant 0 : i32
        %dma_wait3A_271 = tpu.memref_slice %arg3[%add3A_267, %dma_wait3A_270] : memref<2560x128xi32, #tpu.memory_space<hbm>> -> memref<2x128xi32, #tpu.memory_space<hbm>>
        tpu.wait_dma2 semaphore(%arg16 : memref<!tpu.dma_semaphore, #tpu.memory_space<semaphore_mem>>) src(%dma_wait3A_271 : memref<2x128xi32, #tpu.memory_space<hbm>>) dst(%arg8 : memref<2x128xi32, #tpu.memory_space<vmem>>)
        %scan3A_272 = arith.constant 0 : i32
        %scan3A_273 = arith.constant 0 : i32
        %scan3A_274 = arith.constant 8 : i32
        %scan3A_275 = arith.addi %scan3A_273, %scan3A_274 : i32
        %scan3A_276 = arith.constant 1 : i32
        %scan3A_277 = scf.for %scan3A_286 = %scan3A_273 to %scan3A_275 step %scan3A_276 iter_args(%scan3A_287 = %scan3A_272) -> (i32)  : i32 {
          %mul3A_288 = arith.constant 16 : i32
          %mul3A_289 = arith.muli %scan3A_286, %mul3A_288 : i32
          %get3A = arith.constant 0 : i32
          %get3A_290 = arith.index_cast %get3A : i32 to index
          %get3A_291 = arith.index_cast %mul3A_289 : i32 to index
          %get3A_292 = tpu.vector_load %arg8[%get3A_290, %get3A_291] {strides = array<i32>} : memref<2x128xi32, #tpu.memory_space<vmem>>, vector<1x16xi32>,
          %get3A_293 = vector.shape_cast %get3A_292 : vector<1x16xi32> to vector<16xi32>
          %add3A_294 = vector.broadcast %mul3A_4 : i32 to vector<16xi32>
          %add3A_295 = arith.addi %get3A_293, %add3A_294 : vector<16xi32>
          %mul3A_296 = arith.constant 16 : i32
          %mul3A_297 = arith.muli %scan3A_286, %mul3A_296 : i32
          %swap3A = arith.constant 0 : i32
          %swap3A_298 = arith.index_cast %swap3A : i32 to index
          %swap3A_299 = arith.index_cast %mul3A_297 : i32 to index
          %swap3A_300 = tpu.vector_load %arg8[%swap3A_298, %swap3A_299] {strides = array<i32>} : memref<2x128xi32, #tpu.memory_space<vmem>>, vector<1x16xi32>,
          %swap3A_301 = vector.shape_cast %swap3A_300 : vector<1x16xi32> to vector<16xi32>
          %swap3A_302 = vector.shape_cast %add3A_295 : vector<16xi32> to vector<1x16xi32>
          tpu.vector_store %arg8[%swap3A_298, %swap3A_299], %swap3A_302 {strides = array<i32>} : memref<2x128xi32, #tpu.memory_space<vmem>>, vector<1x16xi32>,
          %scan3A_303 = arith.constant 0 : i32
          scf.yield %scan3A_303 : i32
        }
        %scan3A_278 = arith.constant 8 : i32
        %dma_start3A_279 = arith.constant 0 : i32
        %dma_start3A_280 = arith.constant 0 : i32
        %dma_start3A_281 = tpu.memref_slice %arg8[%dma_start3A_279, %dma_start3A_280] : memref<2x128xi32, #tpu.memory_space<vmem>> -> memref<1x128xi32, #tpu.memory_space<vmem>>
        %dma_start3A_282 = tpu.memref_squeeze %dma_start3A_281 : memref<1x128xi32, #tpu.memory_space<vmem>> -> memref<128xi32, #tpu.memory_space<vmem>>
        %dma_start3A_283 = arith.constant 0 : i32
        %dma_start3A_284 = arith.constant 0 : i32
        %dma_start3A_285 = tpu.memref_slice %arg2[%dma_start3A_283, %dma_start3A_284] : memref<20480x128xf32, #tpu.memory_space<hbm>> -> memref<20480x128xf32, #tpu.memory_space<hbm>>
        tpu.enqueue_indirect_dma source(%dma_start3A_285 : memref<20480x128xf32, #tpu.memory_space<hbm>>) target(%arg6 : memref<128x128xf32, #tpu.memory_space<vmem>>) offsets(%dma_start3A_282 : memref<128xi32, #tpu.memory_space<vmem>>) semaphore(%arg12 : memref<!tpu.dma_semaphore, #tpu.memory_space<semaphore_mem>>)
      } else {
      }
      %scan3A_262 = arith.constant 0 : i32
      scf.yield %scan3A_262 : i32
    }
    %scan3A_52 = arith.constant 20 : i32
    %dma_wait3A_53 = arith.constant 1 : i32
    %dma_wait3A_54 = arith.constant 0 : i32
    %dma_wait3A_55 = tpu.memref_slice %arg11[%dma_wait3A_53, %dma_wait3A_54] : memref<2x128xi32, #tpu.memory_space<vmem>> -> memref<1x128xi32, #tpu.memory_space<vmem>>
    %dma_wait3A_56 = tpu.memref_squeeze %dma_wait3A_55 : memref<1x128xi32, #tpu.memory_space<vmem>> -> memref<128xi32, #tpu.memory_space<vmem>>
    %dma_wait3A_57 = arith.constant 0 : i32
    %dma_wait3A_58 = arith.constant 0 : i32
    %dma_wait3A_59 = tpu.memref_slice %arg5[%dma_wait3A_57, %dma_wait3A_58] : memref<10240x128xf32, #tpu.memory_space<vmem_shared>> -> memref<10240x128xf32, #tpu.memory_space<vmem_shared>>
    tpu.wait_indirect_dma semaphore(%arg15 : memref<!tpu.dma_semaphore, #tpu.memory_space<semaphore_mem>>) src(%arg7 : memref<128x128xf32, #tpu.memory_space<vmem>>) dst(%dma_wait3A_59 : memref<10240x128xf32, #tpu.memory_space<vmem_shared>>)
    %barrier3A_60 = arith.constant 0 : index
    tpu.barrier barrier_id(%barrier3A_60)
    %mul3A_61 = arith.constant 640 : i32
    %mul3A_62 = arith.muli %arg1, %mul3A_61 : i32
    %mul3A_63 = arith.constant 10240 : i32
    %mul3A_64 = arith.muli %arg0, %mul3A_63 : i32
    %mul3A_65 = arith.constant 640 : i32
    %mul3A_66 = arith.muli %arg1, %mul3A_65 : i32
    %add3A_67 = arith.addi %mul3A_64, %mul3A_66 : i32
    "tpu.region"() ({
      %run_scoped3A = tpu.sem_alloc : memref<!tpu.dma_semaphore, #tpu.memory_space<semaphore_mem>>
      %dma_start3A_68 = arith.constant 0 : i32
      %dma_start3A_69 = tpu.memref_slice %arg4[%add3A_67, %dma_start3A_68] : memref<20480x128xf32, #tpu.memory_space<hbm>> -> memref<640x128xf32, #tpu.memory_space<hbm>>
      %dma_start3A_70 = arith.constant 0 : i32
      %dma_start3A_71 = tpu.memref_slice %arg5[%mul3A_62, %dma_start3A_70] : memref<10240x128xf32, #tpu.memory_space<vmem_shared>> -> memref<640x128xf32, #tpu.memory_space<vmem_shared>>
      tpu.enqueue_dma source(%dma_start3A_71 : memref<640x128xf32, #tpu.memory_space<vmem_shared>>) target(%dma_start3A_69 : memref<640x128xf32, #tpu.memory_space<hbm>>) target_semaphore(%run_scoped3A : memref<!tpu.dma_semaphore, #tpu.memory_space<semaphore_mem>>)
      %dma_wait3A_72 = arith.constant 0 : i32
      %dma_wait3A_73 = tpu.memref_slice %arg4[%add3A_67, %dma_wait3A_72] : memref<20480x128xf32, #tpu.memory_space<hbm>> -> memref<640x128xf32, #tpu.memory_space<hbm>>
      %dma_wait3A_74 = arith.constant 0 : i32
      %dma_wait3A_75 = tpu.memref_slice %arg5[%mul3A_62, %dma_wait3A_74] : memref<10240x128xf32, #tpu.memory_space<vmem_shared>> -> memref<640x128xf32, #tpu.memory_space<vmem_shared>>
      tpu.wait_dma2 semaphore(%run_scoped3A : memref<!tpu.dma_semaphore, #tpu.memory_space<semaphore_mem>>) src(%dma_wait3A_75 : memref<640x128xf32, #tpu.memory_space<vmem_shared>>) dst(%dma_wait3A_73 : memref<640x128xf32, #tpu.memory_space<hbm>>)
      tpu.yield
    }) : () -> ()
    return
  }
}

module attributes {stable_mosaic.version = 14 : i64} {
  func.func @body(%arg0: i32, %arg1: memref<1024x256xf32, #tpu.memory_space<vmem>>, %arg2: memref<256x256xf32, #tpu.memory_space<vmem>>, %arg3: memref<2x1024xf32, #tpu.memory_space<vmem>>, %arg4: memref<2x1024x128xf32, #tpu.memory_space<vmem>>, %arg5: memref<1024xf32, #tpu.memory_space<vmem>>) attributes {dimension_semantics = [#tpu.dimension_semantics<arbitrary>], iteration_bounds = array<i64: 10>, scalar_prefetch = 0 : i64, scratch_operands = 0 : i64, tpu.core_type = #tpu.core_type<tc>, window_params = [{transform_indices = @transform_0, window_bounds = array<i64: 1024, 256>}, {pipeline_mode = #tpu.pipeline_mode<synchronous>, transform_indices = @transform_1, window_bounds = array<i64: 256, 256>}, {transform_indices = @transform_2, window_bounds = array<i64: 2, 1024>}, {transform_indices = @transform_3, window_bounds = array<i64: 2, 1024, 128>}, {transform_indices = @transform_4, window_bounds = array<i64: 1024>}]} {
    %get3A = arith.constant 0 : index
    %get3A_0 = arith.constant 0 : index
    %get3A_1 = vector.load %arg3[%get3A, %get3A_0] : memref<2x1024xf32, #tpu.memory_space<vmem>>, vector<1x1024xf32>
    %get3A_2 = vector.shape_cast %get3A_1 : vector<1x1024xf32> to vector<1024xf32>
    %get3A_3 = arith.constant 1 : index
    %get3A_4 = arith.constant 0 : index
    %get3A_5 = vector.load %arg3[%get3A_3, %get3A_4] : memref<2x1024xf32, #tpu.memory_space<vmem>>, vector<1x1024xf32>
    %get3A_6 = vector.shape_cast %get3A_5 : vector<1x1024xf32> to vector<1024xf32>
    %add3A = arith.addf %get3A_2, %get3A_6 : vector<1024xf32>
    %add3A_7 = arith.constant 1.000000e+00 : f32
    %add3A_8 = vector.broadcast %add3A_7 : f32 to vector<1024xf32>
    %add3A_9 = arith.addf %add3A, %add3A_8 : vector<1024xf32>
    %rsqrt3A = math.rsqrt %add3A_9 : vector<1024xf32>
    %get3A_10 = arith.constant 0 : index
    %get3A_11 = arith.constant 0 : index
    %get3A_12 = vector.load %arg1[%get3A_10, %get3A_11] : memref<1024x256xf32, #tpu.memory_space<vmem>>, vector<1024x256xf32>
    %get3A_13 = arith.constant 0 : index
    %get3A_14 = arith.constant 0 : index
    %get3A_15 = vector.load %arg2[%get3A_13, %get3A_14] : memref<256x256xf32, #tpu.memory_space<vmem>>, vector<256x256xf32>
    %dot_general3A = arith.constant dense<0.000000e+00> : vector<1024x256xf32>
    %dot_general3A_16 = tpu.matmul %get3A_12, %get3A_15, %dot_general3A {dimension_numbers = #tpu.dot_dimension_numbers<[1], [0], [0], [1], [0, 0, 1, 1], [], []>, transpose_lhs_hint = false} : vector<1024x256xf32>, vector<256x256xf32>, vector<1024x256xf32> -> vector<1024x256xf32>
    %broadcast_in_dim3A = vector.shape_cast %rsqrt3A : vector<1024xf32> to vector<1024x1xf32>
    %mul3A = vector.broadcast %broadcast_in_dim3A : vector<1024x1xf32> to vector<1024x256xf32>
    %mul3A_17 = arith.mulf %dot_general3A_16, %mul3A : vector<1024x256xf32>
    %slice3A = vector.extract_strided_slice %mul3A_17 {offsets = [0, 0], sizes = [1024, 128], strides = [1, 1]} : vector<1024x256xf32> to vector<1024x128xf32>
    %swap3A = arith.constant 0 : index
    %swap3A_18 = arith.constant 0 : index
    %swap3A_19 = arith.constant 0 : index
    %swap3A_20 = vector.load %arg4[%swap3A, %swap3A_18, %swap3A_19] : memref<2x1024x128xf32, #tpu.memory_space<vmem>>, vector<1x1024x128xf32>
    %swap3A_21 = vector.shape_cast %swap3A_20 : vector<1x1024x128xf32> to vector<1024x128xf32>
    %swap3A_22 = vector.shape_cast %slice3A : vector<1024x128xf32> to vector<1x1024x128xf32>
    tpu.vector_store %arg4[%swap3A, %swap3A_18, %swap3A_19], %swap3A_22 {strides = array<i32>} : memref<2x1024x128xf32, #tpu.memory_space<vmem>>, vector<1x1024x128xf32>,
    %slice3A_23 = vector.extract_strided_slice %mul3A_17 {offsets = [0, 128], sizes = [1024, 128], strides = [1, 1]} : vector<1024x256xf32> to vector<1024x128xf32>
    %swap3A_24 = arith.constant 1 : index
    %swap3A_25 = arith.constant 0 : index
    %swap3A_26 = arith.constant 0 : index
    %swap3A_27 = vector.load %arg4[%swap3A_24, %swap3A_25, %swap3A_26] : memref<2x1024x128xf32, #tpu.memory_space<vmem>>, vector<1x1024x128xf32>
    %swap3A_28 = vector.shape_cast %swap3A_27 : vector<1x1024x128xf32> to vector<1024x128xf32>
    %swap3A_29 = vector.shape_cast %slice3A_23 : vector<1024x128xf32> to vector<1x1024x128xf32>
    tpu.vector_store %arg4[%swap3A_24, %swap3A_25, %swap3A_26], %swap3A_29 {strides = array<i32>} : memref<2x1024x128xf32, #tpu.memory_space<vmem>>, vector<1x1024x128xf32>,
    %swap3A_30 = arith.constant 0 : index
    %swap3A_31 = vector.load %arg5[%swap3A_30] : memref<1024xf32, #tpu.memory_space<vmem>>, vector<1024xf32>
    tpu.vector_store %arg5[%swap3A_30], %rsqrt3A {strides = array<i32>} : memref<1024xf32, #tpu.memory_space<vmem>>, vector<1024xf32>,
    return
  }
  func.func @transform_0(%arg0: i32) -> (i32, i32) {
    %c0_i32 = arith.constant 0 : i32
    %c0_i32_0 = arith.constant 0 : i32
    return %arg0, %c0_i32 : i32, i32
  }
  func.func @transform_1(%arg0: i32) -> (i32, i32) {
    %c0_i32 = arith.constant 0 : i32
    %c0_i32_0 = arith.constant 0 : i32
    %c0_i32_1 = arith.constant 0 : i32
    return %c0_i32, %c0_i32_0 : i32, i32
  }
  func.func @transform_2(%arg0: i32) -> (i32, i32) {
    %c0_i32 = arith.constant 0 : i32
    %c0_i32_0 = arith.constant 0 : i32
    return %c0_i32, %arg0 : i32, i32
  }
  func.func @transform_3(%arg0: i32) -> (i32, i32, i32) {
    %c0_i32 = arith.constant 0 : i32
    %c0_i32_0 = arith.constant 0 : i32
    %c0_i32_1 = arith.constant 0 : i32
    return %c0_i32, %arg0, %c0_i32_0 : i32, i32, i32
  }
  func.func @transform_4(%arg0: i32) -> i32 {
    %c0_i32 = arith.constant 0 : i32
    return %arg0 : i32
  }
}

module attributes {stable_mosaic.version = 14 : i64} {
  func.func @body(%arg0: i32, %arg1: memref<2x1024x128xf32, #tpu.memory_space<vmem>>, %arg2: memref<1024xf32, #tpu.memory_space<vmem>>, %arg3: memref<1024x256xf32, #tpu.memory_space<vmem>>, %arg4: memref<256xf32, #tpu.memory_space<vmem>>, %arg5: memref<256xf32, #tpu.memory_space<vmem>>, %arg6: memref<256xf32, #tpu.memory_space<vmem>>, %arg7: memref<1024x256xf32, #tpu.memory_space<vmem>>) attributes {dimension_semantics = [#tpu.dimension_semantics<arbitrary>], iteration_bounds = array<i64: 10>, scalar_prefetch = 0 : i64, scratch_operands = 0 : i64, tpu.core_type = #tpu.core_type<tc>, window_params = [{transform_indices = @transform_0, window_bounds = array<i64: 2, 1024, 128>}, {transform_indices = @transform_1, window_bounds = array<i64: 1024>}, {transform_indices = @transform_2, window_bounds = array<i64: 1024, 256>}, {pipeline_mode = #tpu.pipeline_mode<synchronous>, transform_indices = @transform_3, window_bounds = array<i64: 256>}, {pipeline_mode = #tpu.pipeline_mode<synchronous>, transform_indices = @transform_4, window_bounds = array<i64: 256>}, {pipeline_mode = #tpu.pipeline_mode<synchronous>, transform_indices = @transform_5, window_bounds = array<i64: 256>}, {transform_indices = @transform_6, window_bounds = array<i64: 1024, 256>}]} {
    %get3A = arith.constant 0 : index
    %get3A_0 = arith.constant 0 : index
    %get3A_1 = arith.constant 0 : index
    %get3A_2 = vector.load %arg1[%get3A, %get3A_0, %get3A_1] : memref<2x1024x128xf32, #tpu.memory_space<vmem>>, vector<1x1024x128xf32>
    %get3A_3 = vector.shape_cast %get3A_2 : vector<1x1024x128xf32> to vector<1024x128xf32>
    %get3A_4 = arith.constant 1 : index
    %get3A_5 = arith.constant 0 : index
    %get3A_6 = arith.constant 0 : index
    %get3A_7 = vector.load %arg1[%get3A_4, %get3A_5, %get3A_6] : memref<2x1024x128xf32, #tpu.memory_space<vmem>>, vector<1x1024x128xf32>
    %get3A_8 = vector.shape_cast %get3A_7 : vector<1x1024x128xf32> to vector<1024x128xf32>
    %concatenate3A = tpu.concatenate %get3A_3, %get3A_8 in 1 : vector<1024x128xf32>, vector<1024x128xf32> -> vector<1024x256xf32>
    %get3A_9 = arith.constant 0 : index
    %get3A_10 = vector.load %arg2[%get3A_9] : memref<1024xf32, #tpu.memory_space<vmem>>, vector<1024xf32>
    %broadcast_in_dim3A = vector.shape_cast %get3A_10 : vector<1024xf32> to vector<1024x1xf32>
    %mul3A = vector.broadcast %broadcast_in_dim3A : vector<1024x1xf32> to vector<1024x256xf32>
    %mul3A_11 = arith.mulf %concatenate3A, %mul3A : vector<1024x256xf32>
    %get3A_12 = arith.constant 0 : index
    %get3A_13 = vector.load %arg4[%get3A_12] : memref<256xf32, #tpu.memory_space<vmem>>, vector<256xf32>
    %broadcast_in_dim3A_14 = vector.shape_cast %get3A_13 : vector<256xf32> to vector<1x256xf32>
    %add3A = vector.broadcast %broadcast_in_dim3A_14 : vector<1x256xf32> to vector<1024x256xf32>
    %add3A_15 = arith.addf %mul3A_11, %add3A : vector<1024x256xf32>
    %reduce_sum3A = arith.constant dense<0.000000e+00> : vector<1024xf32>
    %reduce_sum3A_16 = vector.multi_reduction <add>, %add3A_15, %reduce_sum3A [1] : vector<1024x256xf32> to vector<1024xf32>
    %broadcast_in_dim3A_17 = vector.shape_cast %reduce_sum3A_16 : vector<1024xf32> to vector<1024x1xf32>
    %div3A = arith.constant 2.560000e+02 : f32
    %div3A_18 = vector.broadcast %div3A : f32 to vector<1024x1xf32>
    %div3A_19 = arith.divf %broadcast_in_dim3A_17, %div3A_18 : vector<1024x1xf32>
    %sub3A = vector.broadcast %div3A_19 : vector<1024x1xf32> to vector<1024x256xf32>
    %sub3A_20 = arith.subf %add3A_15, %sub3A : vector<1024x256xf32>
    %mul3A_21 = arith.mulf %sub3A_20, %sub3A_20 : vector<1024x256xf32>
    %reduce_sum3A_22 = arith.constant dense<0.000000e+00> : vector<1024xf32>
    %reduce_sum3A_23 = vector.multi_reduction <add>, %mul3A_21, %reduce_sum3A_22 [1] : vector<1024x256xf32> to vector<1024xf32>
    %broadcast_in_dim3A_24 = vector.shape_cast %reduce_sum3A_23 : vector<1024xf32> to vector<1024x1xf32>
    %div3A_25 = arith.constant 2.560000e+02 : f32
    %div3A_26 = vector.broadcast %div3A_25 : f32 to vector<1024x1xf32>
    %div3A_27 = arith.divf %broadcast_in_dim3A_24, %div3A_26 : vector<1024x1xf32>
    %add3A_28 = arith.constant 9.99999974E-6 : f32
    %add3A_29 = vector.broadcast %add3A_28 : f32 to vector<1024x1xf32>
    %add3A_30 = arith.addf %div3A_27, %add3A_29 : vector<1024x1xf32>
    %rsqrt3A = math.rsqrt %add3A_30 : vector<1024x1xf32>
    %mul3A_31 = vector.broadcast %rsqrt3A : vector<1024x1xf32> to vector<1024x256xf32>
    %mul3A_32 = arith.mulf %sub3A_20, %mul3A_31 : vector<1024x256xf32>
    %get3A_33 = arith.constant 0 : index
    %get3A_34 = vector.load %arg5[%get3A_33] : memref<256xf32, #tpu.memory_space<vmem>>, vector<256xf32>
    %broadcast_in_dim3A_35 = vector.shape_cast %get3A_34 : vector<256xf32> to vector<1x256xf32>
    %mul3A_36 = vector.broadcast %broadcast_in_dim3A_35 : vector<1x256xf32> to vector<1024x256xf32>
    %mul3A_37 = arith.mulf %mul3A_32, %mul3A_36 : vector<1024x256xf32>
    %get3A_38 = arith.constant 0 : index
    %get3A_39 = vector.load %arg6[%get3A_38] : memref<256xf32, #tpu.memory_space<vmem>>, vector<256xf32>
    %broadcast_in_dim3A_40 = vector.shape_cast %get3A_39 : vector<256xf32> to vector<1x256xf32>
    %add3A_41 = vector.broadcast %broadcast_in_dim3A_40 : vector<1x256xf32> to vector<1024x256xf32>
    %add3A_42 = arith.addf %mul3A_37, %add3A_41 : vector<1024x256xf32>
    %max3A = arith.constant 0.000000e+00 : f32
    %max3A_43 = vector.broadcast %max3A : f32 to vector<1024x256xf32>
    %max3A_44 = arith.maximumf %add3A_42, %max3A_43 : vector<1024x256xf32>
    %get3A_45 = arith.constant 0 : index
    %get3A_46 = arith.constant 0 : index
    %get3A_47 = vector.load %arg3[%get3A_45, %get3A_46] : memref<1024x256xf32, #tpu.memory_space<vmem>>, vector<1024x256xf32>
    %add3A_48 = arith.addf %max3A_44, %get3A_47 : vector<1024x256xf32>
    %swap3A = arith.constant 0 : index
    %swap3A_49 = arith.constant 0 : index
    %swap3A_50 = vector.load %arg7[%swap3A, %swap3A_49] : memref<1024x256xf32, #tpu.memory_space<vmem>>, vector<1024x256xf32>
    tpu.vector_store %arg7[%swap3A, %swap3A_49], %add3A_48 {strides = array<i32>} : memref<1024x256xf32, #tpu.memory_space<vmem>>, vector<1024x256xf32>,
    return
  }
  func.func @transform_0(%arg0: i32) -> (i32, i32, i32) {
    %c0_i32 = arith.constant 0 : i32
    %c0_i32_0 = arith.constant 0 : i32
    %c0_i32_1 = arith.constant 0 : i32
    return %c0_i32, %arg0, %c0_i32_0 : i32, i32, i32
  }
  func.func @transform_1(%arg0: i32) -> i32 {
    %c0_i32 = arith.constant 0 : i32
    return %arg0 : i32
  }
  func.func @transform_2(%arg0: i32) -> (i32, i32) {
    %c0_i32 = arith.constant 0 : i32
    %c0_i32_0 = arith.constant 0 : i32
    return %arg0, %c0_i32 : i32, i32
  }
  func.func @transform_3(%arg0: i32) -> i32 {
    %c0_i32 = arith.constant 0 : i32
    %c0_i32_0 = arith.constant 0 : i32
    return %c0_i32 : i32
  }
  func.func @transform_4(%arg0: i32) -> i32 {
    %c0_i32 = arith.constant 0 : i32
    %c0_i32_0 = arith.constant 0 : i32
    return %c0_i32 : i32
  }
  func.func @transform_5(%arg0: i32) -> i32 {
    %c0_i32 = arith.constant 0 : i32
    %c0_i32_0 = arith.constant 0 : i32
    return %c0_i32 : i32
  }
  func.func @transform_6(%arg0: i32) -> (i32, i32) {
    %c0_i32 = arith.constant 0 : i32
    %c0_i32_0 = arith.constant 0 : i32
    return %arg0, %c0_i32 : i32, i32
  }
}

</mosaic_0001>

<sc_bundles>
// kernel: kernel.6.cloned.1.call-start
scs
__scs_entry_jumppad:
0x0: {  	(pc) =	sbr.rel $0x88, $3  }
0x1: {  	(tag) =	ssettag $0x0;
	lr =	simm.s32 $0x1  }
0x2: {  	[smem:$0x3F9B] =	sst lr;
	_ =	strace $0xD0000000  }
0x3: {  	_ = 	snop  }
0x4: {  	_ = 	snop  }
0x5: {  	_ = 	snop  }
0x6: {  	_ = 	snop  }
0x7: {  	_ = 	snop  }
__scs_overlays_trampoline_lowered:
0x8: {  	[smem:$0x3FAA] =	sst s0  }
0x9: {  	[smem:$0x3FAB] =	sst s1  }
0xa: {  	[smem:$0x3FAC] =	sst s2  }
0xb: {  	[smem:$0x3FAD] =	sst s3  }
0xc: {  	[smem:$0x3FAE] =	sst s4  }
0xd: {  	[smem:$0x3FAF] =	sst s5  }
0xe: {  	[smem:$0x3FB0] =	sst s6  }
0xf: {  	[smem:$0x3FB1] =	sst s7  }
0x10: {  	[smem:$0x3FB2] =	sst s8  }
0x11: {  	[smem:$0x3FB3] =	sst s9;
	s0 =	simm.s32 @!p0 $0x0  }
0x12: {  	s1 =	sld [smem:$0x3F99];
	s0 =	simm.s32 @p0 $0x1  }
0x13: {  	[smem:$0x3FB4] =	sst s0;
	s0 =	simm.s32 @!p1 $0x0  }
0x14: {  	s2 =	sld [smem:$0x3F98];
	s0 =	simm.s32 @p1 $0x1  }
0x15: {  	[smem:$0x3FB5] =	sst s0;
	s0 =	simm.s32 @!p2 $0x0  }
0x16: {  	s3 =	sld [smem:$0x3FDB];
	s0 =	simm.s32 @p2 $0x1  }
0x17: {  	s4 =	simm.s32 $0x1BF5;
	[smem:$0x3FB7] =	sst s0  }
0x18: {  	s0 =	sld [smem:$0x3F9A];
	_ =	swait.ge [sflag:s4], $0x0  }
0x19: {  	s7 =	sld [smem:$0x3F9B]  }
0x1a: {  	s8 =	sadd.s32 $0xFFFFE003, lr  }
0x1b: {  	s9 =	sadd.s32 $0xFFFFFEF7, lr;
	s5 =	simm.s32 $0xFFFFFFFF;
	p2 =	slt.u32 s8, $0xFFFFF086  }
0x1c: {  	p1 =	slt.u32 s9, $0xF7A;
	s5 =	simm.s32 @!p2 $0x0  }
0x1d: {  	s5 =	simm.s32 @p1 $0x1;
	p0 =	seq.s32 s7, s2  }
0x1e: {  	s7 =	smul.u32 @!p0 $0xF7A, s2;
	p2 =	seq.s32 @!p0 s5, $0x0  }
0x1f: {  	s9 =	smul.u32 $0xF7A, s1;
	s8 =	simm.s32 @!p0 $0x1BF5;
	p2 =	por !p2, p0  }
0x20: {  	[sflag:s8] =	ssyncset.s32 @!p0 $0xFFFFF086;
	s6 =	sadd.s32 @!p0 s3, s7;
	s7 =	simm.s32 @!p0 $0x108  }
0x21: {  	s3 =	sadd.s32 s3, s9;
	s6 =	sadd.s32 @!p0 $0x88, s6;
	s7 =	simm.s32 @p2 $0x1082  }
0x22: {  	[simem:s7], [sflag:s8] =	dma.local @!p0 [hbm:s6], $0xF7A  }
0x23: {  	s9 =	sor.u32 $0xD0000000, s2;
	s6 =	simm.s32 $0x108;
	_ =	swait.ge @!p0 [sflag:s8], $0x0  }
0x24: {  	s3 =	sadd.s32 $0x88, s3;
	s6 =	simm.s32 @!p1 $0x1082;
	[sflag:s4] =	ssyncset.s32 $0xFFFFF086  }
0x25: {  	[simem:s6], [sflag:s4] =	dma.local [hbm:s3], $0xF7A  }
0x26: {  	[smem:$0x3F9B] =	sst s1;
	(tag) =	ssettag s2;
	_ =	strace s9  }
0x27: {  	s1 =	sld [smem:$0x3FAB]  }
0x28: {  	s2 =	sld [smem:$0x3FAC]  }
0x29: {  	s4 =	sld [smem:$0x3FAE]  }
0x2a: {  	p0 =	seq.s32 s5, $0x0;
	s5 =	sld [smem:$0x3FAF]  }
0x2b: {  	s6 =	sld [smem:$0x3FB0]  }
0x2c: {  	s7 =	sld [smem:$0x3FB1]  }
0x2d: {  	s3 =	simm.s32 $0x108;
	s8 =	sld [smem:$0x3FB2]  }
0x2e: {  	s3 =	simm.s32 @!p0 $0x1082;
	s9 =	sld [smem:$0x3FB3]  }
0x2f: {  	lr =	sadd.s32 s0, s3;
	s0 =	sld [smem:$0x3FAA]  }
0x30: {  	s3 =	sld [smem:$0x3FAD]  }
0x31: {  	[smem:$0x3FB6] =	sst s10  }
0x32: {  	s10 =	sld [smem:$0x3FB4];
	_ =	sdelay $0x3  }
0x33: {  	p0 =	seq.s32 s10, $0x1;
	s10 =	sld [smem:$0x3FB6];
	_ =	sdelay $0x3  }
0x34: {  	[smem:$0x3FB6] =	sst s10  }
0x35: {  	s10 =	sld [smem:$0x3FB5];
	_ =	sdelay $0x3  }
0x36: {  	p1 =	seq.s32 s10, $0x1;
	s10 =	sld [smem:$0x3FB6];
	_ =	sdelay $0x3  }
0x37: {  	[smem:$0x3FB6] =	sst s10  }
0x38: {  	s10 =	sld [smem:$0x3FB7]  }
0x39: {  	_ = 	snop;
	(pc) =	sbr.ind lr, $3  }
0x3a: {  	_ = 	snop  }
0x3b: {  	_ = 	snop  }
0x3c: {  	p2 =	seq.s32 s10, $0x1;
	s10 =	sld [smem:$0x3FB6]  }
0x3d: {  	_ =	shalt  }
0x3e: {  	_ =	shalt  }
0x3f: {  	_ =	shalt  }
0x40: {  	_ =	shalt  }
0x41: {  	_ =	shalt  }
0x42: {  	_ =	shalt  }
0x43: {  	_ =	shalt  }
0x44: {  	_ =	shalt  }
0x45: {  	_ =	shalt  }
0x46: {  	_ =	shalt  }
0x47: {  	_ =	shalt  }
0x48: {  	_ =	shalt  }
0x49: {  	_ =	shalt  }
0x4a: {  	_ =	shalt  }
0x4b: {  	_ =	shalt  }
0x4c: {  	_ =	shalt  }
0x4d: {  	_ =	shalt  }
0x4e: {  	_ =	shalt  }
0x4f: {  	_ =	shalt  }
0x50: {  	_ =	shalt  }
0x51: {  	_ =	shalt  }
0x52: {  	_ =	shalt  }
0x53: {  	_ =	shalt  }
0x54: {  	_ =	shalt  }
0x55: {  	_ =	shalt  }
0x56: {  	_ =	shalt  }
0x57: {  	_ =	shalt  }
0x58: {  	_ =	shalt  }
0x59: {  	_ =	shalt  }
0x5a: {  	_ =	shalt  }
0x5b: {  	_ =	shalt  }
0x5c: {  	_ =	shalt  }
0x5d: {  	_ =	shalt  }
0x5e: {  	_ =	shalt  }
0x5f: {  	_ =	shalt  }
0x60: {  	_ =	shalt  }
0x61: {  	_ =	shalt  }
0x62: {  	_ =	shalt  }
0x63: {  	_ =	shalt  }
0x64: {  	_ =	shalt  }
0x65: {  	_ =	shalt  }
0x66: {  	_ =	shalt  }
0x67: {  	_ =	shalt  }
0x68: {  	_ =	shalt  }
0x69: {  	_ =	shalt  }
0x6a: {  	_ =	shalt  }
0x6b: {  	_ =	shalt  }
0x6c: {  	_ =	shalt  }
0x6d: {  	_ =	shalt  }
0x6e: {  	_ =	shalt  }
0x6f: {  	_ =	shalt  }
0x70: {  	_ =	shalt  }
0x71: {  	_ =	shalt  }
0x72: {  	_ =	shalt  }
0x73: {  	_ =	shalt  }
0x74: {  	_ =	shalt  }
0x75: {  	_ =	shalt  }
0x76: {  	_ =	shalt  }
0x77: {  	_ =	shalt  }
0x78: {  	_ =	shalt  }
0x79: {  	_ =	shalt  }
0x7a: {  	_ =	shalt  }
0x7b: {  	_ =	shalt  }
0x7c: {  	_ =	shalt  }
0x7d: {  	_ =	shalt  }
0x7e: {  	_ =	shalt  }
0x7f: {  	_ =	shalt  }
0x80: {  	_ =	shalt  }
0x81: {  	_ =	shalt  }
0x82: {  	_ =	shalt  }
0x83: {  	_ =	shalt  }
0x84: {  	_ =	shalt  }
0x85: {  	_ =	shalt  }
0x86: {  	_ =	shalt  }
0x87: {  	_ =	shalt  }
.Lfunc_end0:
.L_simem_size_0:
called_computation_lowered:
.L_overlay_start_0:
0x88: {  	s2 =	sld [smem:$0x3FD9]  }
0x89: {  	s3 =	sld [smem:$0x3FFE];
	_ =	sdelay $0x1  }
0x8a: {  	s1 =	srdreg.scid  }
0x8b: {  	s0 =	sand.u32 $0x1, s1  }
0x8c: {  	s16 =	sshll.u32 s0, $0xA;
	s2 =	sadd.s32 s3, s2  }
0x8d: {  	s2 =	sadd.s32 s2, s16  }
0x8e: {  	[smem:$0x3FC2] =	sst s2  }
0x8f: {  	_ = 	snop  }
0x90: {  	(tm) =	ssettm $0x1  }
0x91: {  	s17 =	sld [smem:$0x3FFB];
	_ =	sdelay $0x3  }
0x92: {  	_ =	strace s17  }
0x93: {  	s2 =	sld [smem:$0x3FFC];
	_ =	sdelay $0x3  }
0x94: {  	_ =	strace s2  }
0x95: {  	s2 =	sld [smem:$0x3FFD];
	_ =	sdelay $0x3  }
0x96: {  	_ =	strace s2  }
0x97: {  	_ =	strace $0x8FFFFFFF  }
0x98: {  	s18 =	sld [smem:$0x3FDB];
	_ =	sdelay $0x1  }
0x99: {  	s19 =	simm.s32 $_scs_section_size  }
0x9a: {  	s4 =	simm.s32 $_size__tile_overlayer_lowered;
	s5 =	simm.s32 $_tile_overlayer_lowered  }
0x9b: {  	s22 =	simm.s32 $0x1BFF;
	s21 =	sshll.u32 s5, $0x1;
	s2 =	sadd.s32 s19, s18  }
0x9c: {  	s6 =	simm.s32 $0x0;
	s20 =	sshll.u32 s4, $0x1;
	s4 =	sadd.s32 s21, s2  }
0x9d: {  	[timem:s6], [sflag:s22] =	dma.local [hbm:s4], s20  }
0x9e: {  	_ =	swait.ge [sflag:s22], s20  }
0x9f: {  	s3 =	ssub.s32 $0x0, s20;
	[sflag:s22] =	ssyncset.done $0x0  }
0xa0: {  	[sflag:s22] =	ssyncadd.s32 s3;
	_ =	sdelay $0x1  }
0xa1: {  	s23 =	simm.s32 $0x1B8B  }
0xa2: {  	_ =	swait.ge [sflag:s23], $0x1  }
0xa3: {  	[sflag:s23] =	ssyncset.done $0x0  }
0xa4: {  	s25 =	simm.s32 $0x1B8E;
	s24 =	sld [smem:$0x3FFE];
	[sflag:s23] =	ssyncadd.s32 $0xFFFFFFFF  }
0xa5: {  	s26 =	simm.s32 $execute0_lowered;
	[smem:$0x3FD2] =	sst s25  }
0xa6: {  	s4 =	sshll.u32 s26, $0x1;
	_ =	strace $0x80000046;
	[dreg:$0x1] =	wrdreg $0xFFFFFFFF  }
0xa7: {  	s28 =	simm.s32 $_size_execute0_lowered;
	s2 =	sadd.s32 s2, s4;
	[dreg:$0x0] =	wrdreg $0x0  }
0xa8: {  	s4 =	sshll.u32 s28, $0x1;
	[dreg:$0x2] =	wrdreg s2  }
0xa9: {  	[dreg:$0x3] =	wrdreg s4  }
0xaa: {  	[dreg:$0x4] =	wrdreg $0xC0  }
0xab: {  	_ =	task [dreg:s6], $0x5FFFF  }
0xac: {  	[dreg:$0x1] =	wrdreg $0xFFFFFFFF  }
0xad: {  	[dreg:$0x0] =	wrdreg $0x60  }
0xae: {  	[dreg:$0x2] =	wrdreg s24  }
0xaf: {  	[dreg:$0x3] =	wrdreg $0x0  }
0xb0: {  	[dreg:$0x4] =	wrdreg $0x9  }
0xb1: {  	_ =	task.clear_ibuf [dreg:s6], $0x5FFFF;
	_ =	strace $0x90000046  }
0xb2: {  	s29 =	simm.s32 $0x9;
	_ =	strace $0x80000048  }
0xb3: {  	_ =	swait.ge [sflag:s29], $0x1  }
0xb4: {  	[sflag:s29] =	ssyncadd.s32 $0xFFFFFFFF  }
0xb5: {  	_ =	strace $0x90000048  }
0xb6: {  	_ =	sfence  }
0xb7: {  	s30 =	sld [smem:$0x0];
	_ =	sdelay $0x2  }
0xb8: {  	s31 =	sshll.u32 s1, $0xD;
	s1 =	sshrl.u32 s1, $0x2  }
0xb9: {  	s3 =	sand.u32 $0x4000, s31;
	s1 =	sadd.s32 s1, s30  }
0xba: {  	s0 =	sor.u32 s3, s0;
	s1 =	sshll.u32 s1, $0x11  }
0xbb: {  	s0 =	sor.u32 s1, s0  }
0xbc: {  	s0 =	sadd.s32 $0x8F2B, s0  }
0xbd: {  	[sflag:s0] =	ssyncadd.remote.s32 $0x1  }
0xbe: {  	_ =	sfence.sel $0xFFFF  }
0xbf: {  	[dreg:$0x0] =	wrdreg $0xFFFFFFFF;
	(pc) =	sbr.abs _section_cstart, $3  }
0xc0: {  	[dreg:$0x1] =	wrdreg $0xFFFFFFFF  }
0xc1: {  	_ =	task.clear_ibuf [dreg:s6], $0x2FFFF;
	_ =	strace $0x9FFFFFFF  }
0xc2: {  	(tm) =	ssettm $0x7FFFFFFF  }
0xc3: {  	_ =	shalt  }
tec
execute0_lowered:
.L_overlay_start_1:
0x0: {  	(tag) =	ssettag $0x1  }
0x1: {  	s0 =	srdreg.scid  }
0x2: {  	s1 =	rddreg [dreg:$0x0];
	s4 =	stileid.u32  }
0x3: {  	s2 =	rddreg [dreg:$0x1];
	s24 =	simm.s32 $0x0;
	s8 =	simm.s32 $0x300  }
0x4: {  	s9 =	simm.s32 $0x2;
	s11 =	simm.s32 $0x80;
	s12 =	simm.s32 $0x280  }
0x5: {  	s10 =	simm.s32 $0xE00;
	s13 =	simm.s32 $0xE80;
	s14 =	simm.s32 $0xF00  }
0x6: {  	s15 =	simm.s32 $0xF80;
	s16 =	simm.s32 $0x1000;
	s17 =	simm.s32 $0x1080  }
0x7: {  	s18 =	simm.s32 $0x1100;
	s19 =	simm.s32 $0x1180;
	s20 =	simm.s32 $0x1200  }
0x8: {  	s21 =	simm.s32 $0x1280;
	s22 =	simm.s32 $0x1300;
	s23 =	simm.s32 $0x1380  }
0x9: {  	s28 =	simm.s32 $0x1580;
	s29 =	simm.s32 $0x1600;
	s30 =	simm.s32 $0x1680  }
0xa: {  	s31 =	simm.s32 $0x1;
	s0 =	sand.u32 $0x1, s0;
	s5 =	smul.u32 $0x280, s4  }
0xb: {  	[smem:$0x7FF] =	sst s24;
	s3 =	smul.u32 $0x2800, s0;
	s0 =	ssub.s32 $0x2, s0  }
0xc: {  	s24 =	simm.s32 $0x1400;
	_ =	strace $0x80000047;
	s26 =	sshrl.u32 s0, $0x1  }
0xd: {  	s3 =	sadd.s32 s5, s3;
	s0 =	ssub.s32 s0, s26;
	s5 =	sadd.s32 s5, s2  }
0xe: {  	s26 =	simm.s32 $0x1500;
	s25 =	sshrl.u32 s3, $0x3;
	s3 =	sadd.s32 s3, s1  }
0xf: {  	s7 =	smax.u32 s0, $0x1;
	s1 =	sadd.s32 s25, s1;
	s4 =	sadd.s32 $0x1200, s3  }
0x10: {  	v0 =	vimm.f32 $1.000000000e+00;
	v1 =	vimm.f32 $0.0e+00;
	s25 =	simm.s32 $0x1480;
	s6 =	sadd.s32 $0x6200, s1;
	s1 =	simm.s32 $0x0  }
.LBB2_1:
0x11: {  	[tilespmem:$0x280] =	vst v0  }
0x12: {  	[tilespmem:$0x290] =	vst v0  }
0x13: {  	[tilespmem:$0x2A0] =	vst v0  }
0x14: {  	[tilespmem:$0x2B0] =	vst v0  }
0x15: {  	[tilespmem:$0x2C0] =	vst v0  }
0x16: {  	[tilespmem:$0x2D0] =	vst v0  }
0x17: {  	[tilespmem:$0x2E0] =	vst v0  }
0x18: {  	[tilespmem:$0x2F0] =	vst v0  }
0x19: {  	[tilespmem:$0x1700] =	vst v1  }
0x1a: {  	[tilespmem:$0x1710] =	vst v1  }
0x1b: {  	[tilespmem:$0x1720] =	vst v1  }
0x1c: {  	[tilespmem:$0x1730] =	vst v1  }
0x1d: {  	[tilespmem:$0x1740] =	vst v1  }
0x1e: {  	[tilespmem:$0x1750] =	vst v1  }
0x1f: {  	[tilespmem:$0x1760] =	vst v1  }
0x20: {  	[tilespmem:$0x1770] =	vst v1  }
0x21: {  	[tilespmem:$0x1780] =	vst v1  }
0x22: {  	[tilespmem:$0x1790] =	vst v1  }
0x23: {  	[tilespmem:$0x17A0] =	vst v1  }
0x24: {  	[tilespmem:$0x17B0] =	vst v1  }
0x25: {  	[tilespmem:$0x17C0] =	vst v1  }
0x26: {  	[tilespmem:$0x17D0] =	vst v1  }
0x27: {  	[tilespmem:$0x17E0] =	vst v1  }
0x28: {  	[tilespmem:$0x17F0] =	vst v1  }
0x29: {  	[tilespmem:$0x1800] =	vst v1  }
0x2a: {  	[tilespmem:$0x1810] =	vst v1  }
0x2b: {  	[tilespmem:$0x1820] =	vst v1  }
0x2c: {  	[tilespmem:$0x1830] =	vst v1  }
0x2d: {  	[tilespmem:$0x1840] =	vst v1  }
0x2e: {  	[tilespmem:$0x1850] =	vst v1  }
0x2f: {  	[tilespmem:$0x1860] =	vst v1  }
0x30: {  	[tilespmem:$0x1870] =	vst v1  }
0x31: {  	[tilespmem:$0x1880] =	vst v1  }
0x32: {  	[tilespmem:$0x1890] =	vst v1  }
0x33: {  	[tilespmem:$0x18A0] =	vst v1  }
0x34: {  	[tilespmem:$0x18B0] =	vst v1  }
0x35: {  	[tilespmem:$0x18C0] =	vst v1  }
0x36: {  	[tilespmem:$0x18D0] =	vst v1  }
0x37: {  	[tilespmem:$0x18E0] =	vst v1  }
0x38: {  	[tilespmem:$0x18F0] =	vst v1  }
0x39: {  	[tilespmem:$0x1900] =	vst v1  }
0x3a: {  	[tilespmem:$0x1910] =	vst v1  }
0x3b: {  	[tilespmem:$0x1920] =	vst v1  }
0x3c: {  	[tilespmem:$0x1930] =	vst v1  }
0x3d: {  	[tilespmem:$0x1940] =	vst v1  }
0x3e: {  	[tilespmem:$0x1950] =	vst v1  }
0x3f: {  	[tilespmem:$0x1960] =	vst v1  }
0x40: {  	[tilespmem:$0x1970] =	vst v1;
	s0 =	simm.s32 $0x0  }
0x41: {  	[tilespmem:s8], [sflag:$0x2] =	stream.linear.gather [hbm4b:s4+s0], $0x1400, $0x38;
	[tilespmem:$0x1980] =	vst v63  }
0x42: {  	_ =	swait.ge [sflag:s9], $0x1400  }
0x43: {  	[sflag:s9] =	ssyncset.done $0x0  }
0x44: {  	s3 =	simm.s32 $0x1700;
	[sflag:s9] =	ssyncadd.s32 $0xFFFFEC00  }
0x45: {  	[spmem:s5] =	stream.linear.scatter [tilespmem:s3], [sflag:$0x2], $0x280, $0x38;
	[tilespmem:$0x1980] =	vst v63  }
0x46: {  	_ =	swait.ge [sflag:s9], $0x280  }
0x47: {  	[sflag:s9] =	ssyncset.done $0x0  }
0x48: {  	[sflag:s9] =	ssyncadd.s32 $0xFFFFFD80  }
0x49: {  	[bflag:$0x0] =	sbarrier.arrive $0xFFFF  }
0x4a: {  	[spmem:s2] =	stream.indirect.scatter.add.f32 [tilespmem:s12], [sflag:$0x1], $0x1, s8, s11, $0xb8;
	[tilespmem:$0x1980] =	vst v63  }
0x4b: {  	s3 =	simm.s32 $0x380  }
0x4c: {  	[spmem:s2] =	stream.indirect.scatter.add.f32 [tilespmem:s12], [sflag:$0x1], $0x1, s3, s11, $0xb8;
	[tilespmem:$0x1980] =	vst v63  }
0x4d: {  	s3 =	simm.s32 $0x400  }
0x4e: {  	[spmem:s2] =	stream.indirect.scatter.add.f32 [tilespmem:s12], [sflag:$0x1], $0x1, s3, s11, $0xb8;
	[tilespmem:$0x1980] =	vst v63  }
0x4f: {  	s3 =	simm.s32 $0x480  }
0x50: {  	[spmem:s2] =	stream.indirect.scatter.add.f32 [tilespmem:s12], [sflag:$0x1], $0x1, s3, s11, $0xb8;
	[tilespmem:$0x1980] =	vst v63  }
0x51: {  	s3 =	simm.s32 $0x500  }
0x52: {  	[spmem:s2] =	stream.indirect.scatter.add.f32 [tilespmem:s12], [sflag:$0x1], $0x1, s3, s11, $0xb8;
	[tilespmem:$0x1980] =	vst v63  }
0x53: {  	s3 =	simm.s32 $0x580  }
0x54: {  	[spmem:s2] =	stream.indirect.scatter.add.f32 [tilespmem:s12], [sflag:$0x1], $0x1, s3, s11, $0xb8;
	[tilespmem:$0x1980] =	vst v63  }
0x55: {  	s3 =	simm.s32 $0x600  }
0x56: {  	[spmem:s2] =	stream.indirect.scatter.add.f32 [tilespmem:s12], [sflag:$0x1], $0x1, s3, s11, $0xb8;
	[tilespmem:$0x1980] =	vst v63  }
0x57: {  	s3 =	simm.s32 $0x680  }
0x58: {  	[spmem:s2] =	stream.indirect.scatter.add.f32 [tilespmem:s12], [sflag:$0x1], $0x1, s3, s11, $0xb8;
	[tilespmem:$0x1980] =	vst v63  }
0x59: {  	s3 =	simm.s32 $0x700  }
0x5a: {  	[spmem:s2] =	stream.indirect.scatter.add.f32 [tilespmem:s12], [sflag:$0x1], $0x1, s3, s11, $0xb8;
	[tilespmem:$0x1980] =	vst v63  }
0x5b: {  	s3 =	simm.s32 $0x780  }
0x5c: {  	[spmem:s2] =	stream.indirect.scatter.add.f32 [tilespmem:s12], [sflag:$0x1], $0x1, s3, s11, $0xb8;
	[tilespmem:$0x1980] =	vst v63  }
0x5d: {  	s3 =	simm.s32 $0x800  }
0x5e: {  	[spmem:s2] =	stream.indirect.scatter.add.f32 [tilespmem:s12], [sflag:$0x1], $0x1, s3, s11, $0xb8;
	[tilespmem:$0x1980] =	vst v63  }
0x5f: {  	s3 =	simm.s32 $0x880  }
0x60: {  	[spmem:s2] =	stream.indirect.scatter.add.f32 [tilespmem:s12], [sflag:$0x1], $0x1, s3, s11, $0xb8;
	[tilespmem:$0x1980] =	vst v63  }
0x61: {  	s3 =	simm.s32 $0x900  }
0x62: {  	[spmem:s2] =	stream.indirect.scatter.add.f32 [tilespmem:s12], [sflag:$0x1], $0x1, s3, s11, $0xb8;
	[tilespmem:$0x1980] =	vst v63  }
0x63: {  	s3 =	simm.s32 $0x980  }
0x64: {  	[spmem:s2] =	stream.indirect.scatter.add.f32 [tilespmem:s12], [sflag:$0x1], $0x1, s3, s11, $0xb8;
	[tilespmem:$0x1980] =	vst v63  }
0x65: {  	s3 =	simm.s32 $0xA00  }
0x66: {  	[spmem:s2] =	stream.indirect.scatter.add.f32 [tilespmem:s12], [sflag:$0x1], $0x1, s3, s11, $0xb8;
	[tilespmem:$0x1980] =	vst v63  }
0x67: {  	s3 =	simm.s32 $0xA80  }
0x68: {  	[spmem:s2] =	stream.indirect.scatter.add.f32 [tilespmem:s12], [sflag:$0x1], $0x1, s3, s11, $0xb8;
	[tilespmem:$0x1980] =	vst v63  }
0x69: {  	s3 =	simm.s32 $0xB00  }
0x6a: {  	[spmem:s2] =	stream.indirect.scatter.add.f32 [tilespmem:s12], [sflag:$0x1], $0x1, s3, s11, $0xb8;
	[tilespmem:$0x1980] =	vst v63  }
0x6b: {  	s3 =	simm.s32 $0xB80  }
0x6c: {  	[spmem:s2] =	stream.indirect.scatter.add.f32 [tilespmem:s12], [sflag:$0x1], $0x1, s3, s11, $0xb8;
	[tilespmem:$0x1980] =	vst v63  }
0x6d: {  	s3 =	simm.s32 $0xC00  }
0x6e: {  	[spmem:s2] =	stream.indirect.scatter.add.f32 [tilespmem:s12], [sflag:$0x1], $0x1, s3, s11, $0xb8;
	[tilespmem:$0x1980] =	vst v63  }
0x6f: {  	s3 =	simm.s32 $0xC80  }
0x70: {  	[spmem:s2] =	stream.indirect.scatter.add.f32 [tilespmem:s12], [sflag:$0x1], $0x1, s3, s11, $0xb8;
	[tilespmem:$0x1980] =	vst v63  }
0x71: {  	s3 =	simm.s32 $0xD00  }
0x72: {  	[spmem:s2] =	stream.indirect.scatter.add.f32 [tilespmem:s12], [sflag:$0x1], $0x1, s3, s11, $0xb8;
	[tilespmem:$0x1980] =	vst v63  }
0x73: {  	s3 =	simm.s32 $0xD80  }
0x74: {  	[spmem:s2] =	stream.indirect.scatter.add.f32 [tilespmem:s12], [sflag:$0x1], $0x1, s3, s11, $0xb8;
	[tilespmem:$0x1980] =	vst v63  }
0x75: {  	_ = 	snop  }
0x76: {  	[spmem:s2] =	stream.indirect.scatter.add.f32 [tilespmem:s12], [sflag:$0x1], $0x1, s10, s11, $0xb8;
	[tilespmem:$0x1980] =	vst v63  }
0x77: {  	_ = 	snop  }
0x78: {  	[spmem:s2] =	stream.indirect.scatter.add.f32 [tilespmem:s12], [sflag:$0x1], $0x1, s13, s11, $0xb8;
	[tilespmem:$0x1980] =	vst v63  }
0x79: {  	_ = 	snop  }
0x7a: {  	[spmem:s2] =	stream.indirect.scatter.add.f32 [tilespmem:s12], [sflag:$0x1], $0x1, s14, s11, $0xb8;
	[tilespmem:$0x1980] =	vst v63  }
0x7b: {  	_ = 	snop  }
0x7c: {  	[spmem:s2] =	stream.indirect.scatter.add.f32 [tilespmem:s12], [sflag:$0x1], $0x1, s15, s11, $0xb8;
	[tilespmem:$0x1980] =	vst v63  }
0x7d: {  	_ = 	snop  }
0x7e: {  	[spmem:s2] =	stream.indirect.scatter.add.f32 [tilespmem:s12], [sflag:$0x1], $0x1, s16, s11, $0xb8;
	[tilespmem:$0x1980] =	vst v63  }
0x7f: {  	_ = 	snop  }
0x80: {  	[spmem:s2] =	stream.indirect.scatter.add.f32 [tilespmem:s12], [sflag:$0x1], $0x1, s17, s11, $0xb8;
	[tilespmem:$0x1980] =	vst v63  }
0x81: {  	_ = 	snop  }
0x82: {  	[spmem:s2] =	stream.indirect.scatter.add.f32 [tilespmem:s12], [sflag:$0x1], $0x1, s18, s11, $0xb8;
	[tilespmem:$0x1980] =	vst v63  }
0x83: {  	_ = 	snop  }
0x84: {  	[spmem:s2] =	stream.indirect.scatter.add.f32 [tilespmem:s12], [sflag:$0x1], $0x1, s19, s11, $0xb8;
	[tilespmem:$0x1980] =	vst v63  }
0x85: {  	_ = 	snop  }
0x86: {  	[spmem:s2] =	stream.indirect.scatter.add.f32 [tilespmem:s12], [sflag:$0x1], $0x1, s20, s11, $0xb8;
	[tilespmem:$0x1980] =	vst v63  }
0x87: {  	_ = 	snop  }
0x88: {  	[spmem:s2] =	stream.indirect.scatter.add.f32 [tilespmem:s12], [sflag:$0x1], $0x1, s21, s11, $0xb8;
	[tilespmem:$0x1980] =	vst v63  }
0x89: {  	_ = 	snop  }
0x8a: {  	[spmem:s2] =	stream.indirect.scatter.add.f32 [tilespmem:s12], [sflag:$0x1], $0x1, s22, s11, $0xb8;
	[tilespmem:$0x1980] =	vst v63  }
0x8b: {  	_ = 	snop  }
0x8c: {  	[spmem:s2] =	stream.indirect.scatter.add.f32 [tilespmem:s12], [sflag:$0x1], $0x1, s23, s11, $0xb8;
	[tilespmem:$0x1980] =	vst v63  }
0x8d: {  	_ = 	snop  }
0x8e: {  	[spmem:s2] =	stream.indirect.scatter.add.f32 [tilespmem:s12], [sflag:$0x1], $0x1, s24, s11, $0xb8;
	[tilespmem:$0x1980] =	vst v63  }
0x8f: {  	_ = 	snop  }
0x90: {  	[spmem:s2] =	stream.indirect.scatter.add.f32 [tilespmem:s12], [sflag:$0x1], $0x1, s25, s11, $0xb8;
	[tilespmem:$0x1980] =	vst v63  }
0x91: {  	_ = 	snop  }
0x92: {  	[spmem:s2] =	stream.indirect.scatter.add.f32 [tilespmem:s12], [sflag:$0x1], $0x1, s26, s11, $0xb8;
	[tilespmem:$0x1980] =	vst v63  }
0x93: {  	_ = 	snop  }
0x94: {  	[spmem:s2] =	stream.indirect.scatter.add.f32 [tilespmem:s12], [sflag:$0x1], $0x1, s28, s11, $0xb8;
	[tilespmem:$0x1980] =	vst v63  }
0x95: {  	_ = 	snop  }
0x96: {  	[spmem:s2] =	stream.indirect.scatter.add.f32 [tilespmem:s12], [sflag:$0x1], $0x1, s29, s11, $0xb8;
	[tilespmem:$0x1980] =	vst v63  }
0x97: {  	_ = 	snop  }
0x98: {  	[spmem:s2] =	stream.indirect.scatter.add.f32 [tilespmem:s12], [sflag:$0x1], $0x1, s30, s11, $0xb8;
	[tilespmem:$0x1980] =	vst v63  }
0x99: {  	_ =	swait.ge [sflag:s31], $0x80  }
0x9a: {  	s0 =	simm.s32 $0x27;
	[sflag:s31] =	ssyncset.done $0x0  }
.LBB2_2:
0x9b: {  	p0 =	sne.s32 s0, $0x1;
	s0 =	sadd.s32 $0xFFFFFFFF, s0;
	[sflag:s31] =	ssyncadd.s32 $0xFFFFFF80  }
.Ltmp0:
0x9c: {  	(pc) =	sbr.rel @p0 .LBB2_2-.Ltmp0, $3  }
0x9d: {  	_ =	sdelay $0x1  }
0x9e: {  	_ =	swait.ge [sflag:s31], $0x80  }
0x9f: {  	[sflag:s31] =	ssyncset.done $0x0  }
0xa0: {  	[sflag:s31] =	ssyncadd.s32 $0xFFFFFF80;
	s0 =	stileid.u32;
	s1 =	sadd.s32 $0x1, s1  }
0xa1: {  	s3 =	sshrl.u32 s5, $0x3;
	s0 =	sshll.u32 s0, $0x6;
	p0 =	sne.s32 s1, s7  }
.Ltmp1:
0xa2: {  	[bflag:$0x0] =	sbarrier.arrive $0xFFFF;
	s0 =	sor.u32 $0x1C02, s0;
	(pc) =	sbr.rel @p0 .LBB2_1-.Ltmp1, $4  }
0xa3: {  	[hbm:s6], [sflag:s0] =	dma.local [spmem:s3], $0x50  }
0xa4: {  	_ =	swait.ge [sflag:s9], $0x50  }
0xa5: {  	[sflag:s9] =	ssyncset.done $0x0  }
0xa6: {  	[sflag:s9] =	ssyncadd.s32 $0xFFFFFFB0  }
0xa7: {  	_ =	sfence.sel $0x180000  }
0xa8: {  	[bflag:$0x0] =	sbarrier.arrive $0xFFFF  }
0xa9: {  	_ =	strace $0x90000047  }
0xaa: {  	s0 =	stileid.u32;
	[bflag:$0x2] =	sbarrier.arrive $0xFFFF  }
0xab: {  	p0 =	sne.s32 s0, $0x0;
	s0 =	rddreg [dreg:$0x2]  }
0xac: {  	s0 =	sadd.s32 @!p0 $0x100000, s0  }
0xad: {  	[sflag:s0] =	ssyncadd.tile.s32 @!p0 $0x1;
	_ =	shalt  }
.Lfunc_end2:
_tile_overlayer_lowered:
.L_overlay_start_2:
0xae: {  	(tag) =	ssettag $0x2  }
0xaf: {  	s0 =	rddreg [dreg:$0x0];
	s2 =	stileid.u32  }
0xb0: {  	s1 =	rddreg [dreg:$0x1];
	p0 =	sne.s32 s2, $0x0  }
0xb1: {  	s3 =	rddreg [dreg:$0x2];
	[bflag:$0x3] =	sbarrier.arrive $0xFFFF;
	s2 =	simm.s32 @!p0 $0x1C02  }
0xb2: {  	[timem:s3], [sflag:s2] =	dma.local @!p0 [hbm:s0], s1  }
0xb3: {  	s0 =	simm.s32 @!p0 $0x2  }
0xb4: {  	_ =	swait.ge @!p0 [sflag:s0], s1  }
0xb5: {  	s1 =	ssub.s32 @!p0 $0x0, s1;
	[sflag:s0] =	ssyncset.done @!p0 $0x0  }
0xb6: {  	[sflag:s0] =	ssyncadd.s32 @!p0 s1  }
0xb7: {  	[bflag:$0x3] =	sbarrier.arrive $0xFFFF  }
0xb8: {  	_ =	shalt  }

// kernel: kernel.9.cloned.1.call-start
scs
__scs_entry_jumppad:
0x0: {  	(pc) =	sbr.rel $0x88, $3  }
0x1: {  	(tag) =	ssettag $0x0;
	lr =	simm.s32 $0x1  }
0x2: {  	[smem:$0x3F9B] =	sst lr;
	_ =	strace $0xD0000000  }
0x3: {  	_ = 	snop  }
0x4: {  	_ = 	snop  }
0x5: {  	_ = 	snop  }
0x6: {  	_ = 	snop  }
0x7: {  	_ = 	snop  }
__scs_overlays_trampoline_lowered:
0x8: {  	[smem:$0x3FAA] =	sst s0  }
0x9: {  	[smem:$0x3FAB] =	sst s1  }
0xa: {  	[smem:$0x3FAC] =	sst s2  }
0xb: {  	[smem:$0x3FAD] =	sst s3  }
0xc: {  	[smem:$0x3FAE] =	sst s4  }
0xd: {  	[smem:$0x3FAF] =	sst s5  }
0xe: {  	[smem:$0x3FB0] =	sst s6  }
0xf: {  	[smem:$0x3FB1] =	sst s7  }
0x10: {  	[smem:$0x3FB2] =	sst s8  }
0x11: {  	[smem:$0x3FB3] =	sst s9;
	s0 =	simm.s32 @!p0 $0x0  }
0x12: {  	s1 =	sld [smem:$0x3F99];
	s0 =	simm.s32 @p0 $0x1  }
0x13: {  	[smem:$0x3FB4] =	sst s0;
	s0 =	simm.s32 @!p1 $0x0  }
0x14: {  	s2 =	sld [smem:$0x3F98];
	s0 =	simm.s32 @p1 $0x1  }
0x15: {  	[smem:$0x3FB5] =	sst s0;
	s0 =	simm.s32 @!p2 $0x0  }
0x16: {  	s3 =	sld [smem:$0x3FDB];
	s0 =	simm.s32 @p2 $0x1  }
0x17: {  	s4 =	simm.s32 $0x1BF5;
	[smem:$0x3FB7] =	sst s0  }
0x18: {  	s0 =	sld [smem:$0x3F9A];
	_ =	swait.ge [sflag:s4], $0x0  }
0x19: {  	s7 =	sld [smem:$0x3F9B]  }
0x1a: {  	s8 =	sadd.s32 $0xFFFFE003, lr  }
0x1b: {  	s9 =	sadd.s32 $0xFFFFFEF7, lr;
	s5 =	simm.s32 $0xFFFFFFFF;
	p2 =	slt.u32 s8, $0xFFFFF086  }
0x1c: {  	p1 =	slt.u32 s9, $0xF7A;
	s5 =	simm.s32 @!p2 $0x0  }
0x1d: {  	s5 =	simm.s32 @p1 $0x1;
	p0 =	seq.s32 s7, s2  }
0x1e: {  	s7 =	smul.u32 @!p0 $0xF7A, s2;
	p2 =	seq.s32 @!p0 s5, $0x0  }
0x1f: {  	s9 =	smul.u32 $0xF7A, s1;
	s8 =	simm.s32 @!p0 $0x1BF5;
	p2 =	por !p2, p0  }
0x20: {  	[sflag:s8] =	ssyncset.s32 @!p0 $0xFFFFF086;
	s6 =	sadd.s32 @!p0 s3, s7;
	s7 =	simm.s32 @!p0 $0x108  }
0x21: {  	s3 =	sadd.s32 s3, s9;
	s6 =	sadd.s32 @!p0 $0x88, s6;
	s7 =	simm.s32 @p2 $0x1082  }
0x22: {  	[simem:s7], [sflag:s8] =	dma.local @!p0 [hbm:s6], $0xF7A  }
0x23: {  	s9 =	sor.u32 $0xD0000000, s2;
	s6 =	simm.s32 $0x108;
	_ =	swait.ge @!p0 [sflag:s8], $0x0  }
0x24: {  	s3 =	sadd.s32 $0x88, s3;
	s6 =	simm.s32 @!p1 $0x1082;
	[sflag:s4] =	ssyncset.s32 $0xFFFFF086  }
0x25: {  	[simem:s6], [sflag:s4] =	dma.local [hbm:s3], $0xF7A  }
0x26: {  	[smem:$0x3F9B] =	sst s1;
	(tag) =	ssettag s2;
	_ =	strace s9  }
0x27: {  	s1 =	sld [smem:$0x3FAB]  }
0x28: {  	s2 =	sld [smem:$0x3FAC]  }
0x29: {  	s4 =	sld [smem:$0x3FAE]  }
0x2a: {  	p0 =	seq.s32 s5, $0x0;
	s5 =	sld [smem:$0x3FAF]  }
0x2b: {  	s6 =	sld [smem:$0x3FB0]  }
0x2c: {  	s7 =	sld [smem:$0x3FB1]  }
0x2d: {  	s3 =	simm.s32 $0x108;
	s8 =	sld [smem:$0x3FB2]  }
0x2e: {  	s3 =	simm.s32 @!p0 $0x1082;
	s9 =	sld [smem:$0x3FB3]  }
0x2f: {  	lr =	sadd.s32 s0, s3;
	s0 =	sld [smem:$0x3FAA]  }
0x30: {  	s3 =	sld [smem:$0x3FAD]  }
0x31: {  	[smem:$0x3FB6] =	sst s10  }
0x32: {  	s10 =	sld [smem:$0x3FB4];
	_ =	sdelay $0x3  }
0x33: {  	p0 =	seq.s32 s10, $0x1;
	s10 =	sld [smem:$0x3FB6];
	_ =	sdelay $0x3  }
0x34: {  	[smem:$0x3FB6] =	sst s10  }
0x35: {  	s10 =	sld [smem:$0x3FB5];
	_ =	sdelay $0x3  }
0x36: {  	p1 =	seq.s32 s10, $0x1;
	s10 =	sld [smem:$0x3FB6];
	_ =	sdelay $0x3  }
0x37: {  	[smem:$0x3FB6] =	sst s10  }
0x38: {  	s10 =	sld [smem:$0x3FB7]  }
0x39: {  	_ = 	snop;
	(pc) =	sbr.ind lr, $3  }
0x3a: {  	_ = 	snop  }
0x3b: {  	_ = 	snop  }
0x3c: {  	p2 =	seq.s32 s10, $0x1;
	s10 =	sld [smem:$0x3FB6]  }
0x3d: {  	_ =	shalt  }
0x3e: {  	_ =	shalt  }
0x3f: {  	_ =	shalt  }
0x40: {  	_ =	shalt  }
0x41: {  	_ =	shalt  }
0x42: {  	_ =	shalt  }
0x43: {  	_ =	shalt  }
0x44: {  	_ =	shalt  }
0x45: {  	_ =	shalt  }
0x46: {  	_ =	shalt  }
0x47: {  	_ =	shalt  }
0x48: {  	_ =	shalt  }
0x49: {  	_ =	shalt  }
0x4a: {  	_ =	shalt  }
0x4b: {  	_ =	shalt  }
0x4c: {  	_ =	shalt  }
0x4d: {  	_ =	shalt  }
0x4e: {  	_ =	shalt  }
0x4f: {  	_ =	shalt  }
0x50: {  	_ =	shalt  }
0x51: {  	_ =	shalt  }
0x52: {  	_ =	shalt  }
0x53: {  	_ =	shalt  }
0x54: {  	_ =	shalt  }
0x55: {  	_ =	shalt  }
0x56: {  	_ =	shalt  }
0x57: {  	_ =	shalt  }
0x58: {  	_ =	shalt  }
0x59: {  	_ =	shalt  }
0x5a: {  	_ =	shalt  }
0x5b: {  	_ =	shalt  }
0x5c: {  	_ =	shalt  }
0x5d: {  	_ =	shalt  }
0x5e: {  	_ =	shalt  }
0x5f: {  	_ =	shalt  }
0x60: {  	_ =	shalt  }
0x61: {  	_ =	shalt  }
0x62: {  	_ =	shalt  }
0x63: {  	_ =	shalt  }
0x64: {  	_ =	shalt  }
0x65: {  	_ =	shalt  }
0x66: {  	_ =	shalt  }
0x67: {  	_ =	shalt  }
0x68: {  	_ =	shalt  }
0x69: {  	_ =	shalt  }
0x6a: {  	_ =	shalt  }
0x6b: {  	_ =	shalt  }
0x6c: {  	_ =	shalt  }
0x6d: {  	_ =	shalt  }
0x6e: {  	_ =	shalt  }
0x6f: {  	_ =	shalt  }
0x70: {  	_ =	shalt  }
0x71: {  	_ =	shalt  }
0x72: {  	_ =	shalt  }
0x73: {  	_ =	shalt  }
0x74: {  	_ =	shalt  }
0x75: {  	_ =	shalt  }
0x76: {  	_ =	shalt  }
0x77: {  	_ =	shalt  }
0x78: {  	_ =	shalt  }
0x79: {  	_ =	shalt  }
0x7a: {  	_ =	shalt  }
0x7b: {  	_ =	shalt  }
0x7c: {  	_ =	shalt  }
0x7d: {  	_ =	shalt  }
0x7e: {  	_ =	shalt  }
0x7f: {  	_ =	shalt  }
0x80: {  	_ =	shalt  }
0x81: {  	_ =	shalt  }
0x82: {  	_ =	shalt  }
0x83: {  	_ =	shalt  }
0x84: {  	_ =	shalt  }
0x85: {  	_ =	shalt  }
0x86: {  	_ =	shalt  }
0x87: {  	_ =	shalt  }
.Lfunc_end0:
.L_simem_size_0:
called_computation.1_lowered:
.L_overlay_start_0:
0x88: {  	s2 =	sld [smem:$0x3FD9]  }
0x89: {  	s3 =	sld [smem:$0x3FFE];
	_ =	sdelay $0x1  }
0x8a: {  	s1 =	srdreg.scid  }
0x8b: {  	s0 =	sand.u32 $0x1, s1  }
0x8c: {  	s17 =	sshll.u32 s0, $0xA;
	s2 =	sadd.s32 s3, s2  }
0x8d: {  	s2 =	sadd.s32 s2, s17  }
0x8e: {  	[smem:$0x3FC2] =	sst s2  }
0x8f: {  	_ = 	snop  }
0x90: {  	s2 =	sld [smem:$0x3FD0];
	(tm) =	ssettm $0x1  }
0x91: {  	s18 =	sld [smem:$0x3FFB];
	_ =	sdelay $0x3  }
0x92: {  	_ =	strace s18  }
0x93: {  	s3 =	sld [smem:$0x3FFC];
	_ =	sdelay $0x3  }
0x94: {  	_ =	strace s3  }
0x95: {  	s3 =	sld [smem:$0x3FFD];
	_ =	sdelay $0x3  }
0x96: {  	_ =	strace s3  }
0x97: {  	_ =	strace $0x8FFFFFFF  }
0x98: {  	s19 =	sld [smem:$0x3FDB];
	_ =	sdelay $0x1  }
0x99: {  	s4 =	simm.s32 $_scs_section_size  }
0x9a: {  	s5 =	simm.s32 $_size__tile_overlayer_lowered;
	s6 =	simm.s32 $_tile_overlayer_lowered  }
0x9b: {  	s22 =	simm.s32 $0x1BFF;
	s21 =	sshll.u32 s6, $0x1;
	s3 =	sadd.s32 s4, s19  }
0x9c: {  	s7 =	simm.s32 $0x0;
	s20 =	sshll.u32 s5, $0x1;
	s5 =	sadd.s32 s21, s3  }
0x9d: {  	[timem:s7], [sflag:s22] =	dma.local [hbm:s5], s20  }
0x9e: {  	_ =	swait.ge [sflag:s22], s20  }
0x9f: {  	s4 =	ssub.s32 $0x0, s20;
	[sflag:s22] =	ssyncset.done $0x0  }
0xa0: {  	[sflag:s22] =	ssyncadd.s32 s4;
	_ =	sdelay $0x1  }
0xa1: {  	s23 =	simm.s32 $0x1B8B  }
0xa2: {  	_ =	swait.ge [sflag:s23], $0x1  }
0xa3: {  	[sflag:s23] =	ssyncset.done $0x0  }
0xa4: {  	s25 =	simm.s32 $0x1B8E;
	s24 =	sld [smem:$0x3FFE];
	[sflag:s23] =	ssyncadd.s32 $0xFFFFFFFF  }
0xa5: {  	s26 =	simm.s32 $execute0_lowered;
	[smem:$0x3FD2] =	sst s25  }
0xa6: {  	s5 =	sshll.u32 s26, $0x1;
	_ =	strace $0x80000049;
	[dreg:$0x1] =	wrdreg $0xFFFFFFFF  }
0xa7: {  	s28 =	simm.s32 $_size_execute0_lowered;
	s3 =	sadd.s32 s3, s5;
	[dreg:$0x0] =	wrdreg $0x0  }
0xa8: {  	s5 =	sshll.u32 s28, $0x1;
	[dreg:$0x2] =	wrdreg s3  }
0xa9: {  	[dreg:$0x3] =	wrdreg s5  }
0xaa: {  	[dreg:$0x4] =	wrdreg $0xC0  }
0xab: {  	_ =	task [dreg:s7], $0x5FFFF  }
0xac: {  	[dreg:$0x1] =	wrdreg $0xFFFFFFFF  }
0xad: {  	[dreg:$0x0] =	wrdreg $0x60  }
0xae: {  	[dreg:$0x2] =	wrdreg s24  }
0xaf: {  	[dreg:$0x3] =	wrdreg s2  }
0xb0: {  	[dreg:$0x4] =	wrdreg $0x0  }
0xb1: {  	[dreg:$0x5] =	wrdreg $0x9  }
0xb2: {  	_ =	task.clear_ibuf [dreg:s7], $0x6FFFF;
	_ =	strace $0x90000049  }
0xb3: {  	s29 =	simm.s32 $0x9;
	_ =	strace $0x8000004B  }
0xb4: {  	_ =	swait.ge [sflag:s29], $0x1  }
0xb5: {  	[sflag:s29] =	ssyncadd.s32 $0xFFFFFFFF  }
0xb6: {  	_ =	strace $0x9000004B  }
0xb7: {  	_ =	sfence  }
0xb8: {  	s30 =	sld [smem:$0x0];
	_ =	sdelay $0x2  }
0xb9: {  	s31 =	sshll.u32 s1, $0xD;
	s1 =	sshrl.u32 s1, $0x2  }
0xba: {  	s3 =	sand.u32 $0x4000, s31;
	s1 =	sadd.s32 s1, s30  }
0xbb: {  	s0 =	sor.u32 s3, s0;
	s1 =	sshll.u32 s1, $0x11  }
0xbc: {  	s0 =	sor.u32 s1, s0  }
0xbd: {  	s0 =	sadd.s32 $0x8F2B, s0  }
0xbe: {  	[sflag:s0] =	ssyncadd.remote.s32 $0x1  }
0xbf: {  	_ =	sfence.sel $0xFFFF  }
0xc0: {  	[dreg:$0x0] =	wrdreg $0xFFFFFFFF;
	(pc) =	sbr.abs _section_cstart, $3  }
0xc1: {  	[dreg:$0x1] =	wrdreg $0xFFFFFFFF  }
0xc2: {  	_ =	task.clear_ibuf [dreg:s7], $0x2FFFF;
	_ =	strace $0x9FFFFFFF  }
0xc3: {  	(tm) =	ssettm $0x7FFFFFFF  }
tec
execute0_lowered:
.L_overlay_start_1:
0x0: {  	(tag) =	ssettag $0x1  }
0x1: {  	s0 =	rddreg [dreg:$0x0]  }
0x2: {  	s1 =	rddreg [dreg:$0x1];
	s3 =	srdreg.scid  }
0x3: {  	s2 =	rddreg [dreg:$0x2];
	s11 =	stileid.u32;
	s12 =	simm.s32 $0x1C000  }
0x4: {  	s13 =	simm.s32 $0x1C100;
	s14 =	simm.s32 $0x1C200;
	s16 =	simm.s32 $0x9  }
0x5: {  	s17 =	simm.s32 $0x5;
	s18 =	simm.s32 $0x80;
	s19 =	simm.s32 $0x14000  }
0x6: {  	s20 =	simm.s32 $0x1;
	s28 =	simm.s32 $0x3;
	s29 =	simm.s32 $0x7  }
0x7: {  	s30 =	simm.s32 $0x1C280;
	s31 =	simm.s32 $0x4;
	s4 =	smul.u32 $0x280, s11  }
0x8: {  	s5 =	sand.u32 $0x1, s3;
	s3 =	simm.s32 $0x0;
	s8 =	smul.u32 $0xA00, s11  }
0x9: {  	s21 =	smul.u32 $0x50000, s11;
	s25 =	sshll.u32 s11, $0x6;
	[smem:$0x7FF] =	sst s3  }
0xa: {  	s6 =	smul.u32 $0x2800, s5;
	s9 =	ssub.s32 $0x2, s5;
	_ =	strace $0x8000004A  }
0xb: {  	s10 =	sshrl.u32 s9, $0x1;
	s5 =	sadd.s32 s1, s8;
	s1 =	sshrl.u32 s21, $0x2  }
0xc: {  	s21 =	simm.s32 $0x1C080;
	s7 =	sadd.s32 s4, s6;
	s4 =	sadd.s32 $0x1200, s0  }
0xd: {  	s22 =	ssub.s32 s9, s10;
	s23 =	sadd.s32 $0x20, s5;
	s24 =	sadd.s32 $0x40, s5  }
0xe: {  	s1 =	sadd.s32 s1, s2;
	s9 =	sor.u32 $0x1C09, s25;
	s25 =	simm.s32 $0x2  }
0xf: {  	v0 =	vmov s6;
	s6 =	simm.s32 $0x0;
	s7 =	sshll.u32 s7, $0x4;
	[dreg:$0x4] =	wrdreg s23  }
0x10: {  	[dreg:$0x5] =	wrdreg s24;
	s26 =	smax.u32 s22, $0x1;
	s8 =	sshrl.u32 s1, $0x3  }
.Ltmp0:
0x11: {  	s22 =	simm.s32 $0x1C300;
	[dreg:$0x7] =	wrdreg s9;
	(pc) =	sbr.rel .LBB2_1-.Ltmp0, $4  }
0x12: {  	s23 =	simm.s32 $0x6;
	s24 =	simm.s32 $0x18000;
	[dreg:$0x9] =	wrdreg s26  }
0x13: {  	s0 =	sadd.s32 s7, s0;
	s7 =	sadd.s32 s4, s7;
	[dreg:$0xa] =	wrdreg s8  }
0x14: {  	s1 =	simm.s32 $0x1C380;
	[dreg:$0x6] =	wrdreg s7;
	s0 =	sadd.s32 $0x51200, s0  }
0x15: {  	s26 =	simm.s32 $0x1C180;
	[dreg:$0x8] =	wrdreg s0;
	s0 =	simm.s32 $0x8  }
.LBB2_4:
0x16: {  	_ =	swait.ge [sflag:s31], $0x4000  }
0x17: {  	[sflag:s31] =	ssyncset.done $0x0  }
0x18: {  	[sflag:s31] =	ssyncadd.s32 $0xFFFFC000  }
0x19: {  	[bflag:$0x0] =	sbarrier.arrive $0xFFFF  }
0x1a: {  	s9 =	rddreg [dreg:$0x7]  }
0x1b: {  	s7 =	rddreg [dreg:$0x8]  }
0x1c: {  	s8 =	rddreg [dreg:$0xa]  }
0x1d: {  	[hbm:s7], [sflag:s9] =	dma.local [spmem:s8], $0x2800  }
0x1e: {  	_ =	swait.ge [sflag:s16], $0x2800  }
0x1f: {  	s6 =	sadd.s32 $0x1, s6;
	s15 =	rddreg [dreg:$0x9]  }
0x20: {  	p0 =	sne.s32 s6, s15  }
.Ltmp1:
0x21: {  	_ = 	snop;
	(pc) =	sbr.rel @!p0 .LBB2_5-.Ltmp1, $3  }
0x22: {  	_ =	sdelay $0x1  }
0x23: {  	[sflag:s16] =	ssyncset.done $0x0  }
0x24: {  	[sflag:s16] =	ssyncadd.s32 $0xFFFFD800  }
.LBB2_1:
0x25: {  	[tilespmem:s12], [sflag:$0x5] =	stream.linear.gather [hbm4b:s5+s3], $0x100, $0x38;
	[tilespmem:$0x1C400] =	vst v63  }
0x26: {  	s7 =	rddreg [dreg:$0x4]  }
0x27: {  	s11 =	rddreg [dreg:$0x5]  }
0x28: {  	[tilespmem:s13], [sflag:$0x6] =	stream.linear.gather [hbm4b:s7+s3], $0x100, $0x38;
	[tilespmem:$0x1C400] =	vst v63  }
0x29: {  	s15 =	rddreg [dreg:$0x6]  }
0x2a: {  	[tilespmem:s14], [sflag:$0x7] =	stream.linear.gather [hbm4b:s11+s3], $0x100, $0x38;
	[tilespmem:$0x1C400] =	vst v63  }
0x2b: {  	[spmem:s8], [sflag:s9] =	dma.local [hbm:s15], $0x2800  }
0x2c: {  	_ =	swait.ge [sflag:s16], $0x2800  }
0x2d: {  	[sflag:s16] =	ssyncset.done $0x0  }
0x2e: {  	[sflag:s16] =	ssyncadd.s32 $0xFFFFD800  }
0x2f: {  	_ =	swait.ge [sflag:s17], $0x100  }
0x30: {  	[sflag:s17] =	ssyncset.done $0x0  }
0x31: {  	[sflag:s17] =	ssyncadd.s32 $0xFFFFFF00  }
0x32: {  	v1 =	vld [tilespmem:$0x1C000]  }
0x33: {  	v2 =	vld [tilespmem:$0x1C010]  }
0x34: {  	v3 =	vld [tilespmem:$0x1C020]  }
0x35: {  	v4 =	vld [tilespmem:$0x1C030]  }
0x36: {  	v5 =	vld [tilespmem:$0x1C040]  }
0x37: {  	v6 =	vld [tilespmem:$0x1C050];
	v1 =	vadd.s32 v0, v1  }
0x38: {  	[tilespmem:$0x1C000] =	vst v1;
	v1 =	vadd.s32 v0, v2;
	v2 =	vld [tilespmem:$0x1C060]  }
0x39: {  	[tilespmem:$0x1C010] =	vst v1;
	v1 =	vadd.s32 v0, v3;
	v3 =	vld [tilespmem:$0x1C070]  }
0x3a: {  	[tilespmem:$0x1C020] =	vst v1;
	v1 =	vadd.s32 v0, v4  }
0x3b: {  	[tilespmem:$0x1C030] =	vst v1;
	v1 =	vadd.s32 v0, v5  }
0x3c: {  	[tilespmem:$0x1C040] =	vst v1;
	v1 =	vadd.s32 v0, v6  }
0x3d: {  	[tilespmem:$0x1C050] =	vst v1;
	v1 =	vadd.s32 v0, v2  }
0x3e: {  	[tilespmem:$0x1C060] =	vst v1;
	v1 =	vadd.s32 v0, v3  }
0x3f: {  	[tilespmem:$0x1C070] =	vst v1  }
0x40: {  	[tilespmem:s19], [sflag:$0x1] =	stream.indirect.gather [hbm4b:s4+s18], $0x80, s12, s18, $0xb8;
	[tilespmem:$0x1C400] =	vst v63  }
0x41: {  	s7 =	simm.s32 $0x0;
	[bflag:$0x0] =	sbarrier.arrive $0xFFFF  }
.LBB2_2:
0x42: {  	_ =	swait.ge [sflag:s20], $0x4000  }
0x43: {  	p0 =	seq.s32 s7, $0x0;
	[sflag:s20] =	ssyncset.done $0x0  }
0x44: {  	s10 =	simm.s32 @!p0 $0x4;
	[sflag:s20] =	ssyncadd.s32 $0xFFFFC000  }
0x45: {  	[spmem:s2] =	stream.indirect.scatter.add.f32 [tilespmem:s19], [sflag:$0x3], $0x80, s21, s18, $0xb8;
	[tilespmem:$0x1C400] =	vst v63  }
0x46: {  	_ =	swait.ge @!p0 [sflag:s10], $0x4000  }
0x47: {  	s8 =	sadd.s32 s7, s5;
	[sflag:s10] =	ssyncset.done @!p0 $0x0  }
0x48: {  	s15 =	sadd.s32 $0x60, s8;
	[sflag:s10] =	ssyncadd.s32 @!p0 $0xFFFFC000  }
0x49: {  	[tilespmem:s22], [sflag:$0x8] =	stream.linear.gather [hbm4b:s15+s3], $0x100, $0x38;
	[tilespmem:$0x1C400] =	vst v63  }
0x4a: {  	_ =	swait.ge [sflag:s23], $0x100  }
0x4b: {  	[sflag:s23] =	ssyncset.done $0x0  }
0x4c: {  	[sflag:s23] =	ssyncadd.s32 $0xFFFFFF00  }
0x4d: {  	v1 =	vld [tilespmem:$0x1C100]  }
0x4e: {  	v2 =	vld [tilespmem:$0x1C110]  }
0x4f: {  	v3 =	vld [tilespmem:$0x1C120]  }
0x50: {  	v4 =	vld [tilespmem:$0x1C130]  }
0x51: {  	v5 =	vld [tilespmem:$0x1C140]  }
0x52: {  	v6 =	vld [tilespmem:$0x1C150];
	v1 =	vadd.s32 v0, v1  }
0x53: {  	[tilespmem:$0x1C100] =	vst v1;
	v1 =	vadd.s32 v0, v2;
	v2 =	vld [tilespmem:$0x1C160]  }
0x54: {  	[tilespmem:$0x1C110] =	vst v1;
	v1 =	vadd.s32 v0, v3;
	v3 =	vld [tilespmem:$0x1C170]  }
0x55: {  	[tilespmem:$0x1C120] =	vst v1;
	v1 =	vadd.s32 v0, v4  }
0x56: {  	[tilespmem:$0x1C130] =	vst v1;
	v1 =	vadd.s32 v0, v5  }
0x57: {  	[tilespmem:$0x1C140] =	vst v1;
	v1 =	vadd.s32 v0, v6  }
0x58: {  	[tilespmem:$0x1C150] =	vst v1;
	v1 =	vadd.s32 v0, v2  }
0x59: {  	[tilespmem:$0x1C160] =	vst v1;
	v1 =	vadd.s32 v0, v3  }
0x5a: {  	[tilespmem:$0x1C170] =	vst v1  }
0x5b: {  	[tilespmem:s24], [sflag:$0x2] =	stream.indirect.gather [hbm4b:s4+s18], $0x80, s13, s18, $0xb8;
	[tilespmem:$0x1C400] =	vst v63  }
0x5c: {  	_ =	swait.ge [sflag:s25], $0x4000  }
0x5d: {  	[sflag:s25] =	ssyncset.done $0x0  }
0x5e: {  	[sflag:s25] =	ssyncadd.s32 $0xFFFFC000  }
0x5f: {  	[spmem:s2] =	stream.indirect.scatter.add.f32 [tilespmem:s24], [sflag:$0x4], $0x80, s26, s18, $0xb8;
	[tilespmem:$0x1C400] =	vst v63  }
0x60: {  	p0 =	seq.s32 s7, $0x980;
	_ =	swait.ge [sflag:s28], $0x4000  }
0x61: {  	s10 =	sadd.s32 @!p0 s7, s5;
	s9 =	simm.s32 @!p0 $0x0;
	[sflag:s28] =	ssyncset.done $0x0  }
0x62: {  	s15 =	simm.s32 @!p0 $0x1C000;
	s11 =	sadd.s32 @!p0 $0x80, s10;
	[sflag:s28] =	ssyncadd.s32 $0xFFFFC000  }
0x63: {  	[tilespmem:s15], [sflag:$0x5] =	stream.linear.gather @!p0 [hbm4b:s11+s9], $0x100, $0x38;
	[tilespmem:$0x1C400] =	vst v63  }
0x64: {  	_ =	swait.ge [sflag:s29], $0x100  }
0x65: {  	[sflag:s29] =	ssyncset.done $0x0  }
0x66: {  	[sflag:s29] =	ssyncadd.s32 $0xFFFFFF00  }
0x67: {  	v1 =	vld [tilespmem:$0x1C200]  }
0x68: {  	v2 =	vld [tilespmem:$0x1C210]  }
0x69: {  	v3 =	vld [tilespmem:$0x1C220]  }
0x6a: {  	v58 =	vld [tilespmem:$0x1C230]  }
0x6b: {  	v59 =	vld [tilespmem:$0x1C240]  }
0x6c: {  	v60 =	vld [tilespmem:$0x1C250];
	v1 =	vadd.s32 v0, v1  }
0x6d: {  	[tilespmem:$0x1C200] =	vst v1;
	v1 =	vadd.s32 v0, v2;
	v2 =	vld [tilespmem:$0x1C260]  }
0x6e: {  	[tilespmem:$0x1C210] =	vst v1;
	v1 =	vadd.s32 v0, v3;
	v3 =	vld [tilespmem:$0x1C270]  }
0x6f: {  	[tilespmem:$0x1C220] =	vst v1;
	v1 =	vadd.s32 v0, v58  }
0x70: {  	[tilespmem:$0x1C230] =	vst v1;
	v1 =	vadd.s32 v0, v59  }
0x71: {  	[tilespmem:$0x1C240] =	vst v1;
	v1 =	vadd.s32 v0, v60  }
0x72: {  	[tilespmem:$0x1C250] =	vst v1;
	v1 =	vadd.s32 v0, v2  }
0x73: {  	[tilespmem:$0x1C260] =	vst v1;
	v1 =	vadd.s32 v0, v3  }
0x74: {  	[tilespmem:$0x1C270] =	vst v1  }
0x75: {  	[tilespmem:s19], [sflag:$0x1] =	stream.indirect.gather [hbm4b:s4+s18], $0x80, s14, s18, $0xb8;
	[tilespmem:$0x1C400] =	vst v63  }
0x76: {  	_ =	swait.ge [sflag:s20], $0x4000  }
0x77: {  	[sflag:s20] =	ssyncset.done $0x0  }
0x78: {  	[sflag:s20] =	ssyncadd.s32 $0xFFFFC000  }
0x79: {  	[spmem:s2] =	stream.indirect.scatter.add.f32 [tilespmem:s19], [sflag:$0x3], $0x80, s30, s18, $0xb8;
	[tilespmem:$0x1C400] =	vst v63  }
0x7a: {  	_ =	swait.ge [sflag:s31], $0x4000  }
0x7b: {  	[sflag:s31] =	ssyncset.done $0x0  }
0x7c: {  	s10 =	sadd.s32 @!p0 $0xA0, s10;
	s11 =	simm.s32 @!p0 $0x1C100;
	[sflag:s31] =	ssyncadd.s32 $0xFFFFC000  }
0x7d: {  	[tilespmem:s11], [sflag:$0x6] =	stream.linear.gather @!p0 [hbm4b:s10+s9], $0x100, $0x38;
	[tilespmem:$0x1C400] =	vst v63  }
0x7e: {  	_ =	swait.ge [sflag:s0], $0x100  }
0x7f: {  	[sflag:s0] =	ssyncset.done $0x0  }
0x80: {  	[sflag:s0] =	ssyncadd.s32 $0xFFFFFF00  }
0x81: {  	v1 =	vld [tilespmem:$0x1C300]  }
0x82: {  	v2 =	vld [tilespmem:$0x1C310]  }
0x83: {  	v3 =	vld [tilespmem:$0x1C320]  }
0x84: {  	v61 =	vld [tilespmem:$0x1C330]  }
0x85: {  	v62 =	vld [tilespmem:$0x1C340]  }
0x86: {  	v63 =	vld [tilespmem:$0x1C350];
	v1 =	vadd.s32 v0, v1  }
0x87: {  	[tilespmem:$0x1C300] =	vst v1;
	v1 =	vadd.s32 v0, v2;
	v2 =	vld [tilespmem:$0x1C360]  }
0x88: {  	[tilespmem:$0x1C310] =	vst v1;
	v1 =	vadd.s32 v0, v3;
	v3 =	vld [tilespmem:$0x1C370]  }
0x89: {  	[tilespmem:$0x1C320] =	vst v1;
	v1 =	vadd.s32 v0, v61  }
0x8a: {  	[tilespmem:$0x1C330] =	vst v1;
	v1 =	vadd.s32 v0, v62  }
0x8b: {  	[tilespmem:$0x1C340] =	vst v1;
	v1 =	vadd.s32 v0, v63  }
0x8c: {  	[tilespmem:$0x1C350] =	vst v1;
	v1 =	vadd.s32 v0, v2  }
0x8d: {  	[tilespmem:$0x1C360] =	vst v1;
	v1 =	vadd.s32 v0, v3  }
0x8e: {  	[tilespmem:$0x1C370] =	vst v1  }
0x8f: {  	[tilespmem:s24], [sflag:$0x2] =	stream.indirect.gather [hbm4b:s4+s18], $0x80, s22, s18, $0xb8;
	[tilespmem:$0x1C400] =	vst v63  }
0x90: {  	_ =	swait.ge [sflag:s25], $0x4000  }
0x91: {  	[sflag:s25] =	ssyncset.done $0x0  }
.Ltmp2:
0x92: {  	[sflag:s25] =	ssyncadd.s32 $0xFFFFC000;
	(pc) =	sbr.rel @p0 .LBB2_4-.Ltmp2, $4  }
0x93: {  	[spmem:s2] =	stream.indirect.scatter.add.f32 [tilespmem:s24], [sflag:$0x4], $0x80, s1, s18, $0xb8;
	[tilespmem:$0x1C400] =	vst v63  }
0x94: {  	_ =	swait.ge [sflag:s28], $0x4000  }
0x95: {  	[sflag:s28] =	ssyncset.done $0x0  }
0x96: {  	[sflag:s28] =	ssyncadd.s32 $0xFFFFC000  }
0x97: {  	s8 =	sadd.s32 $0xC0, s8  }
0x98: {  	[tilespmem:s14], [sflag:$0x7] =	stream.linear.gather [hbm4b:s8+s3], $0x100, $0x38;
	[tilespmem:$0x1C400] =	vst v63  }
0x99: {  	_ =	swait.ge [sflag:s17], $0x100  }
0x9a: {  	[sflag:s17] =	ssyncset.done $0x0  }
0x9b: {  	[sflag:s17] =	ssyncadd.s32 $0xFFFFFF00  }
0x9c: {  	v1 =	vld [tilespmem:$0x1C000]  }
0x9d: {  	v2 =	vld [tilespmem:$0x1C010]  }
0x9e: {  	v3 =	vld [tilespmem:$0x1C020]  }
0x9f: {  	v4 =	vld [tilespmem:$0x1C030]  }
0xa0: {  	v5 =	vld [tilespmem:$0x1C040]  }
0xa1: {  	v6 =	vld [tilespmem:$0x1C050];
	v1 =	vadd.s32 v0, v1  }
0xa2: {  	[tilespmem:$0x1C000] =	vst v1;
	v1 =	vadd.s32 v0, v2;
	v2 =	vld [tilespmem:$0x1C060]  }
0xa3: {  	[tilespmem:$0x1C010] =	vst v1;
	v1 =	vadd.s32 v0, v3;
	v3 =	vld [tilespmem:$0x1C070]  }
0xa4: {  	[tilespmem:$0x1C020] =	vst v1;
	v1 =	vadd.s32 v0, v4  }
0xa5: {  	[tilespmem:$0x1C030] =	vst v1;
	v1 =	vadd.s32 v0, v5  }
.Ltmp3:
0xa6: {  	[tilespmem:$0x1C040] =	vst v1;
	v1 =	vadd.s32 v0, v6;
	(pc) =	sbr.rel .LBB2_2-.Ltmp3, $4  }
0xa7: {  	[tilespmem:$0x1C050] =	vst v1;
	v1 =	vadd.s32 v0, v2  }
0xa8: {  	[tilespmem:$0x1C060] =	vst v1;
	v1 =	vadd.s32 v0, v3  }
0xa9: {  	s7 =	sadd.s32 $0x80, s7;
	[tilespmem:$0x1C070] =	vst v1  }
0xaa: {  	[tilespmem:s19], [sflag:$0x1] =	stream.indirect.gather [hbm4b:s4+s18], $0x80, s12, s18, $0xb8;
	[tilespmem:$0x1C400] =	vst v63  }
.LBB2_5:
0xab: {  	_ =	sfence.sel $0x180000  }
0xac: {  	[bflag:$0x0] =	sbarrier.arrive $0xFFFF  }
0xad: {  	_ =	strace $0x9000004A  }
0xae: {  	s0 =	stileid.u32;
	[bflag:$0x2] =	sbarrier.arrive $0xFFFF  }
0xaf: {  	p0 =	sne.s32 s0, $0x0;
	s0 =	rddreg [dreg:$0x3]  }
0xb0: {  	s0 =	sadd.s32 @!p0 $0x100000, s0  }
0xb1: {  	[sflag:s0] =	ssyncadd.tile.s32 @!p0 $0x1;
	_ =	shalt  }
.Lfunc_end2:
_tile_overlayer_lowered:
.L_overlay_start_2:
0xb2: {  	(tag) =	ssettag $0x2  }
0xb3: {  	s0 =	rddreg [dreg:$0x0];
	s2 =	stileid.u32  }
0xb4: {  	s1 =	rddreg [dreg:$0x1];
	p0 =	sne.s32 s2, $0x0  }
0xb5: {  	s3 =	rddreg [dreg:$0x2];
	[bflag:$0x3] =	sbarrier.arrive $0xFFFF;
	s2 =	simm.s32 @!p0 $0x1C09  }
0xb6: {  	[timem:s3], [sflag:s2] =	dma.local @!p0 [hbm:s0], s1  }
0xb7: {  	s0 =	simm.s32 @!p0 $0x9  }
0xb8: {  	_ =	swait.ge @!p0 [sflag:s0], s1  }
0xb9: {  	s1 =	ssub.s32 @!p0 $0x0, s1;
	[sflag:s0] =	ssyncset.done @!p0 $0x0  }
0xba: {  	[sflag:s0] =	ssyncadd.s32 @!p0 s1  }
0xbb: {  	[bflag:$0x3] =	sbarrier.arrive $0xFFFF  }
0xbc: {  	_ =	shalt  }

</sc_bundles>
